<compile_context>
chip_gen: v7x
topology: tpu7x:2x2x1
jax: 0.10.2.dev20260603
libtpu: 0.0.44.dev20260713+nightly
codegen_flags: <defaults>
</compile_context>

<pallas_src>
import functools

import jax
import jax.numpy as jnp
from jax import lax
from jax.experimental import pallas as pl
from jax.experimental.pallas import tpu as pltpu
from jax.experimental.pallas import tpu_sc as plsc

B = 1024
COND = 128
K = 8192
D = 256
L = 8
H = L * D
PART_OUT = 128

NEG_SLOPE = 0.2


def _leaky(x):
    return jnp.where(x >= 0, x, NEG_SLOPE * x)


def _dense(x_f32, w_bf16_ref, b_ref):
    h = jnp.dot(x_f32.astype(jnp.bfloat16), w_bf16_ref[...],
                preferred_element_type=jnp.float32)
    return _leaky(h + b_ref[...])



def _encoder_body(cond_ref, w1, b1, w2, b2, w3, b3, w4, b4, out_ref):
    x = _dense(cond_ref[...], w1, b1)
    x = _dense(x, w2, b2)
    x = _dense(x, w3, b3)
    x = _dense(x, w4, b4)
    out_ref[...] = x


def _encoder(cond, w1, b1, w2, b2, w3, b3, w4, b4):
    return pl.pallas_call(
        _encoder_body,
        out_shape=jax.ShapeDtypeStruct((B, H), jnp.float32),
        name="vqvae_encoder",
    )(cond, w1, b1, w2, b2, w3, b3, w4, b4)



RBLK = 512
KBLK = 8192


def _vq_body(ef_ref, cb_ref, rowsq_ref, csum_ref, idx_ref):
    ef = ef_ref[...].astype(jnp.bfloat16)
    rowsq = rowsq_ref[...]
    best = jnp.full((RBLK, 1), jnp.inf, jnp.float32)
    bidx = jnp.zeros((RBLK, 1), jnp.int32)
    iota = lax.broadcasted_iota(jnp.int32, (RBLK, KBLK), 1)
    for j in range(K // KBLK):
        cb = cb_ref[pl.ds(j * KBLK, KBLK), :]
        s = lax.dot_general(ef, cb, (((1,), (1,)), ((), ())),
                            preferred_element_type=jnp.float32)
        d = (rowsq + (-2.0) * s) + csum_ref[0:1, pl.ds(j * KBLK, KBLK)]
        m = jnp.min(d, axis=1, keepdims=True)
        il = jnp.min(jnp.where(d == m, iota, K), axis=1,
                     keepdims=True) + j * KBLK
        upd = m < best
        best = jnp.where(upd, m, best)
        bidx = jnp.where(upd, il, bidx)
    idx_ref[...] = bidx


def _vq_argmin(ef, cb_bf16, rowsq, csum8):
    grid = (K // RBLK,)
    return pl.pallas_call(
        _vq_body,
        grid=grid,
        in_specs=[
            pl.BlockSpec((RBLK, D), lambda i: (i, 0)),
            pl.BlockSpec((K, D), lambda i: (0, 0)),
            pl.BlockSpec((RBLK, 1), lambda i: (i, 0)),
            pl.BlockSpec((8, K), lambda i: (0, 0)),
        ],
        out_specs=pl.BlockSpec((RBLK, 1), lambda i: (i, 0)),
        out_shape=jax.ShapeDtypeStruct((K, 1), jnp.int32),
        name="vqvae_dist_argmin",
    )(ef, cb_bf16, rowsq, csum8)



OH_RBLK = 1024
OH_CBLK = 2048


def _onehot_body(idx_ref, out_ref):
    j = pl.program_id(1)
    iota = lax.broadcasted_iota(jnp.int32, (OH_RBLK, OH_CBLK), 1) + j * OH_CBLK
    out_ref[...] = jnp.where(iota == idx_ref[...], 1.0, 0.0)


def _onehot(idx):
    grid = (K // OH_RBLK, K // OH_CBLK)
    return pl.pallas_call(
        _onehot_body,
        grid=grid,
        in_specs=[pl.BlockSpec((OH_RBLK, 1), lambda i, j: (i, 0))],
        out_specs=pl.BlockSpec((OH_RBLK, OH_CBLK), lambda i, j: (i, j)),
        out_shape=jax.ShapeDtypeStruct((K, K), jnp.float32),
        name="vqvae_onehot",
    )(idx)



GATHER_CHUNKS = 8


def _sc_gather(pk0, pk1, idxw_flat):
    info = plsc.get_sparse_core_info()
    nc, ns = info.num_cores, info.num_subcores
    per_s = K // ns
    kch = GATHER_CHUNKS
    ch = per_s // kch

    mesh = plsc.VectorSubcoreMesh(core_axis_name="c", subcore_axis_name="s")

    @functools.partial(
        pl.kernel,
        out_type=(jax.ShapeDtypeStruct((K, 128), jnp.uint32),
                  jax.ShapeDtypeStruct((K, 128), jnp.uint32)),
        mesh=mesh,
        scratch_types=[
            pltpu.VMEM((kch, ch), jnp.int32),
            pltpu.VMEM((kch, ch, 128), jnp.uint32),
            pltpu.VMEM_SHARED((K // 2, 128), jnp.uint32),
            pltpu.SemaphoreType.DMA,
        ],
        name="vqvae_sc_gather",
    )
    def gather_kernel(t0_hbm, t1_hbm, idx_hbm, out0_hbm, out1_hbm,
                      idx_v, rows_v, shared, sem):
        c = lax.axis_index("c")
        s = lax.axis_index("s")

        @pl.when(jnp.logical_and(s == 0, c == 0))
        def _stage0():
            pltpu.sync_copy(t0_hbm, shared)

        @pl.when(jnp.logical_and(s == 0, c == 1))
        def _stage1():
            pltpu.sync_copy(t1_hbm, shared)

        plsc.subcore_barrier()
        pltpu.sync_copy(idx_hbm.at[s], idx_v)
        descs = [
            pltpu.async_copy(shared.at[idx_v.at[b]], rows_v.at[b], sem)
            for b in range(kch)
        ]
        base = s * per_s
        for b, desc in enumerate(descs):
            desc.wait()

            @pl.when(c == 0)
            def _w0(b=b):
                pltpu.sync_copy(rows_v.at[b], out0_hbm.at[pl.ds(base + b * ch, ch)])

            @pl.when(c == 1)
            def _w1(b=b):
                pltpu.sync_copy(rows_v.at[b], out1_hbm.at[pl.ds(base + b * ch, ch)])

    return gather_kernel(pk0, pk1, idxw_flat.reshape(ns, kch, ch))


def _unpack_body(w0_ref, w1_ref, idx_ref, out_ref):
    odd = (idx_ref[...] & 1) == 1
    himask = jnp.uint32(0xFFFF0000)

    def pick(w):
        return lax.bitcast_convert_type(
            jnp.where(odd, w & himask, w << 16), jnp.float32)

    out_ref[...] = jnp.concatenate(
        [pick(w0_ref[...]), pick(w1_ref[...])], axis=1)


def _unpack_quant(g0, g1, idx_col):
    grid = (K // RBLK,)
    return pl.pallas_call(
        _unpack_body,
        grid=grid,
        in_specs=[
            pl.BlockSpec((RBLK, 128), lambda i: (i, 0)),
            pl.BlockSpec((RBLK, 128), lambda i: (i, 0)),
            pl.BlockSpec((RBLK, 1), lambda i: (i, 0)),
        ],
        out_specs=pl.BlockSpec((RBLK, D), lambda i: (i, 0)),
        out_shape=jax.ShapeDtypeStruct((K, D), jnp.float32),
        name="vqvae_unpack_quant",
    )(g0, g1, idx_col)



def _decoder_body(e_ref, q_ref, w1, b1, w2, b2, w3, b3, w4, b4, out_ref):
    e = e_ref[...]
    y = e + (q_ref[...] - e)
    y = _dense(y, w1, b1)
    y = _dense(y, w2, b2)
    y = _dense(y, w3, b3)
    y = _dense(y, w4, b4)
    out_ref[...] = y


def _decoder(e, q, w1, b1, w2, b2, w3, b3, w4, b4):
    return pl.pallas_call(
        _decoder_body,
        out_shape=jax.ShapeDtypeStruct((B, PART_OUT), jnp.float32),
        name="vqvae_decoder",
    )(e, q, w1, b1, w2, b2, w3, b3, w4, b4)



def kernel(cond, enc_W1, enc_b1, enc_W2, enc_b2, enc_W3, enc_b3, enc_W4,
           enc_b4, dec_W1, dec_b1, dec_W2, dec_b2, dec_W3, dec_b3, dec_W4,
           dec_b4, codebook):
    bf = jnp.bfloat16
    f32 = jnp.float32

    encoded2d = _encoder(
        cond,
        enc_W1.astype(bf), enc_b1.reshape(1, -1),
        enc_W2.astype(bf), enc_b2.reshape(1, -1),
        enc_W3.astype(bf), enc_b3.reshape(1, -1),
        enc_W4.astype(bf), enc_b4.reshape(1, -1),
    )
    encoded_flatten = encoded2d.reshape(K, D)

    rowsq = jnp.sum(encoded_flatten ** 2, axis=1, keepdims=True)
    csum = jnp.sum(codebook ** 2, axis=1)
    csum8 = jnp.broadcast_to(csum[None, :], (8, K))

    idx_col = _vq_argmin(encoded_flatten, codebook.astype(bf), rowsq, csum8)

    discrete = _onehot(idx_col)

    cb_q = codebook.astype(bf).astype(f32)
    u = lax.bitcast_convert_type(cb_q, jnp.uint32)
    u4 = u.reshape(K // 2, 2, 2, 128)
    pk0 = (u4[:, 0, 0] >> 16) | u4[:, 1, 0]
    pk1 = (u4[:, 0, 1] >> 16) | u4[:, 1, 1]
    idxw = (idx_col.reshape(K) >> 1).astype(jnp.int32)
    g0, g1 = _sc_gather(pk0, pk1, idxw)
    quant2d = _unpack_quant(g0, g1, idx_col)
    quantized = quant2d.reshape(B, L, D)

    reconstructed = _decoder(
        encoded2d, quant2d.reshape(B, H),
        dec_W1.astype(bf), dec_b1.reshape(1, -1),
        dec_W2.astype(bf), dec_b2.reshape(1, -1),
        dec_W3.astype(bf), dec_b3.reshape(1, -1),
        dec_W4.astype(bf), dec_b4.reshape(1, -1),
    )

    encoded = encoded2d.reshape(B, L, D)
    return (reconstructed, encoded, discrete, quantized)

# --- scband reference (transcript-rebuilt; emitter-appended) ---
"""Pipeline reference for scband-vqvae-12910671692140 (READ-ONLY COPY).

The authoritative reference and input builder live on the scoring server;
editing this copy changes nothing except your own understanding.
"""

import jax, jax.numpy as jnp
import numpy as np

B = 1024
COND = 128
K = 8192      # num_embeddings
D = 256       # embedding_dim
L = 8         # latent_dim
H = L * D     # 2048
PART = 128    # PARTICLE_SHAPE = (128,)


def dense_block(x, W, b):
    return jax.nn.leaky_relu(jnp.dot(x, W) + b, negative_slope=0.2)


def setup_inputs(seed: int = 0) -> dict:
    key = jax.random.key(seed)
    ks = jax.random.split(key, 20)
    s = 0.02
    inp = {}
    inp['cond'] = jax.random.normal(ks[0], (B, COND), dtype=jnp.float32)
    # Encoder weights: cond->D, D->H, H->H, H->H
    inp['enc_W1'] = jax.random.normal(ks[1], (COND, D), dtype=jnp.float32) * s
    inp['enc_b1'] = jnp.zeros((D,), dtype=jnp.float32)
    inp['enc_W2'] = jax.random.normal(ks[2], (D, H), dtype=jnp.float32) * s
    inp['enc_b2'] = jnp.zeros((H,), dtype=jnp.float32)
    inp['enc_W3'] = jax.random.normal(ks[3], (H, H), dtype=jnp.float32) * s
    inp['enc_b3'] = jnp.zeros((H,), dtype=jnp.float32)
    inp['enc_W4'] = jax.random.normal(ks[4], (H, H), dtype=jnp.float32) * s
    inp['enc_b4'] = jnp.zeros((H,), dtype=jnp.float32)
    # Decoder weights: H->H, H->H, H->D, D->PART
    inp['dec_W1'] = jax.random.normal(ks[5], (H, H), dtype=jnp.float32) * s
    inp['dec_b1'] = jnp.zeros((H,), dtype=jnp.float32)
    inp['dec_W2'] = jax.random.normal(ks[6], (H, H), dtype=jnp.float32) * s
    inp['dec_b2'] = jnp.zeros((H,), dtype=jnp.float32)
    inp['dec_W3'] = jax.random.normal(ks[7], (H, D), dtype=jnp.float32) * s
    inp['dec_b3'] = jnp.zeros((D,), dtype=jnp.float32)
    inp['dec_W4'] = jax.random.normal(ks[8], (D, PART), dtype=jnp.float32) * s
    inp['dec_b4'] = jnp.zeros((PART,), dtype=jnp.float32)
    # Codebook
    inp['codebook'] = jax.random.normal(ks[9], (K, D), dtype=jnp.float32) * s
    return inp


def reference(cond, enc_W1, enc_b1, enc_W2, enc_b2, enc_W3, enc_b3, enc_W4, enc_b4,
              dec_W1, dec_b1, dec_W2, dec_b2, dec_W3, dec_b3, dec_W4, dec_b4, codebook):
    # Encoder
    x = dense_block(cond, enc_W1, enc_b1)
    x = dense_block(x, enc_W2, enc_b2)
    x = dense_block(x, enc_W3, enc_b3)
    x = dense_block(x, enc_W4, enc_b4)
    encoded = x.reshape((-1, L, D))
    # Vector quantization
    encoded_flatten = encoded.reshape((-1, D))
    distances = (jnp.sum(encoded_flatten ** 2, axis=1, keepdims=True)
                 + -2 * jnp.dot(encoded_flatten, codebook.T)
                 + jnp.sum(codebook ** 2, axis=1))
    discrete_idx = jnp.argmin(distances, axis=1)
    discrete = jax.nn.one_hot(discrete_idx, K)
    quantized = jnp.dot(discrete, codebook)
    quantized = quantized.reshape(encoded.shape)
    quantized_sg = encoded + jax.lax.stop_gradient(quantized - encoded)
    # Decoder
    y = quantized_sg.reshape((-1, L * D))
    y = dense_block(y, dec_W1, dec_b1)
    y = dense_block(y, dec_W2, dec_b2)
    y = dense_block(y, dec_W3, dec_b3)
    reconstructed = dense_block(y, dec_W4, dec_b4)
    return (reconstructed, encoded, discrete, quantized)

if __name__ == "__main__":
    import jax
    _d = setup_inputs()
    print(jax.jit(kernel)(*tuple(_d.values())))

</pallas_src>

<mosaic_0001>
#map = affine_map<(d0, d1) -> (0, 0)>
#map1 = affine_map<(d0, d1) -> (0, 0, 0)>
module attributes {stable_mosaic.version = 14 : i64} {
  func.func @vqvae_sc_gather(%arg0: i32, %arg1: i32, %arg2: memref<4096x128xi32, #tpu.memory_space<hbm>>, %arg3: memref<4096x128xi32, #tpu.memory_space<hbm>>, %arg4: memref<16x8x64xi32, #tpu.memory_space<hbm>>, %arg5: memref<8192x128xi32, #tpu.memory_space<hbm>>, %arg6: memref<8192x128xi32, #tpu.memory_space<hbm>>, %arg7: memref<8x64xi32, #tpu.memory_space<vmem>>, %arg8: memref<8x64x128xi32, #tpu.memory_space<vmem>>, %arg9: memref<4096x128xi32, #tpu.memory_space<vmem_shared>>, %arg10: memref<!tpu.dma_semaphore, #tpu.memory_space<semaphore_mem>>) attributes {dimension_semantics = [#tpu.dimension_semantics<core_parallel>, #tpu.dimension_semantics<subcore_parallel>], iteration_bounds = array<i64: 2, 16>, scalar_prefetch = 0 : i64, scratch_operands = 4 : i64, tpu.core_type = #tpu.core_type<sc_vector_subcore>, window_params = [{transform_indices = #map}, {transform_indices = #map}, {transform_indices = #map1}, {transform_indices = #map}, {transform_indices = #map}]} {
    %eq3A = arith.constant 0 : i32
    %eq3A_0 = arith.cmpi eq, %arg1, %eq3A : i32
    %eq3A_1 = arith.constant 0 : i32
    %eq3A_2 = arith.cmpi eq, %arg0, %eq3A_1 : i32
    %and3A = arith.andi %eq3A_0, %eq3A_2 : i1
    %convert_element_type3A = arith.extui %and3A : i1 to i32
    %cond3A = arith.constant 0 : i32
    %cond3A_3 = arith.cmpi ne, %convert_element_type3A, %cond3A : i32
    scf.if %cond3A_3 {
      "tpu.region"() ({
        %run_scoped3A = tpu.sem_alloc : memref<!tpu.dma_semaphore, #tpu.memory_space<semaphore_mem>>
        tpu.enqueue_dma source(%arg2 : memref<4096x128xi32, #tpu.memory_space<hbm>>) target(%arg9 : memref<4096x128xi32, #tpu.memory_space<vmem_shared>>) target_semaphore(%run_scoped3A : memref<!tpu.dma_semaphore, #tpu.memory_space<semaphore_mem>>)
        tpu.wait_dma2 semaphore(%run_scoped3A : memref<!tpu.dma_semaphore, #tpu.memory_space<semaphore_mem>>) src(%arg2 : memref<4096x128xi32, #tpu.memory_space<hbm>>) dst(%arg9 : memref<4096x128xi32, #tpu.memory_space<vmem_shared>>)
        tpu.yield
      }) : () -> ()
    } else {
    }
    %eq3A_4 = arith.constant 0 : i32
    %eq3A_5 = arith.cmpi eq, %arg1, %eq3A_4 : i32
    %eq3A_6 = arith.constant 1 : i32
    %eq3A_7 = arith.cmpi eq, %arg0, %eq3A_6 : i32
    %and3A_8 = arith.andi %eq3A_5, %eq3A_7 : i1
    %convert_element_type3A_9 = arith.extui %and3A_8 : i1 to i32
    %cond3A_10 = arith.constant 0 : i32
    %cond3A_11 = arith.cmpi ne, %convert_element_type3A_9, %cond3A_10 : i32
    scf.if %cond3A_11 {
      "tpu.region"() ({
        %run_scoped3A = tpu.sem_alloc : memref<!tpu.dma_semaphore, #tpu.memory_space<semaphore_mem>>
        tpu.enqueue_dma source(%arg3 : memref<4096x128xi32, #tpu.memory_space<hbm>>) target(%arg9 : memref<4096x128xi32, #tpu.memory_space<vmem_shared>>) target_semaphore(%run_scoped3A : memref<!tpu.dma_semaphore, #tpu.memory_space<semaphore_mem>>)
        tpu.wait_dma2 semaphore(%run_scoped3A : memref<!tpu.dma_semaphore, #tpu.memory_space<semaphore_mem>>) src(%arg3 : memref<4096x128xi32, #tpu.memory_space<hbm>>) dst(%arg9 : memref<4096x128xi32, #tpu.memory_space<vmem_shared>>)
        tpu.yield
      }) : () -> ()
    } else {
    }
    %barrier3A = arith.constant 0 : index
    tpu.barrier barrier_id(%barrier3A)
    "tpu.region"() ({
      %run_scoped3A = tpu.sem_alloc : memref<!tpu.dma_semaphore, #tpu.memory_space<semaphore_mem>>
      %dma_start3A_283 = arith.constant 0 : i32
      %dma_start3A_284 = arith.constant 0 : i32
      %dma_start3A_285 = tpu.memref_slice %arg4[%arg1, %dma_start3A_283, %dma_start3A_284] : memref<16x8x64xi32, #tpu.memory_space<hbm>> -> memref<1x8x64xi32, #tpu.memory_space<hbm>>
      %dma_start3A_286 = tpu.memref_squeeze %dma_start3A_285 : memref<1x8x64xi32, #tpu.memory_space<hbm>> -> memref<8x64xi32, #tpu.memory_space<hbm>>
      %dma_start3A_287 = arith.constant 0 : i32
      %dma_start3A_288 = arith.constant 0 : i32
      %dma_start3A_289 = tpu.memref_slice %arg4[%arg1, %dma_start3A_287, %dma_start3A_288] : memref<16x8x64xi32, #tpu.memory_space<hbm>> -> memref<1x8x64xi32, #tpu.memory_space<hbm>>
      %dma_start3A_290 = tpu.memref_squeeze %dma_start3A_289 : memref<1x8x64xi32, #tpu.memory_space<hbm>> -> memref<8x64xi32, #tpu.memory_space<hbm>>
      tpu.enqueue_dma source(%dma_start3A_290 : memref<8x64xi32, #tpu.memory_space<hbm>>) target(%arg7 : memref<8x64xi32, #tpu.memory_space<vmem>>) target_semaphore(%run_scoped3A : memref<!tpu.dma_semaphore, #tpu.memory_space<semaphore_mem>>)
      %dma_wait3A_291 = arith.constant 0 : i32
      %dma_wait3A_292 = arith.constant 0 : i32
      %dma_wait3A_293 = tpu.memref_slice %arg4[%arg1, %dma_wait3A_291, %dma_wait3A_292] : memref<16x8x64xi32, #tpu.memory_space<hbm>> -> memref<1x8x64xi32, #tpu.memory_space<hbm>>
      %dma_wait3A_294 = tpu.memref_squeeze %dma_wait3A_293 : memref<1x8x64xi32, #tpu.memory_space<hbm>> -> memref<8x64xi32, #tpu.memory_space<hbm>>
      %dma_wait3A_295 = arith.constant 0 : i32
      %dma_wait3A_296 = arith.constant 0 : i32
      %dma_wait3A_297 = tpu.memref_slice %arg4[%arg1, %dma_wait3A_295, %dma_wait3A_296] : memref<16x8x64xi32, #tpu.memory_space<hbm>> -> memref<1x8x64xi32, #tpu.memory_space<hbm>>
      %dma_wait3A_298 = tpu.memref_squeeze %dma_wait3A_297 : memref<1x8x64xi32, #tpu.memory_space<hbm>> -> memref<8x64xi32, #tpu.memory_space<hbm>>
      tpu.wait_dma2 semaphore(%run_scoped3A : memref<!tpu.dma_semaphore, #tpu.memory_space<semaphore_mem>>) src(%dma_wait3A_298 : memref<8x64xi32, #tpu.memory_space<hbm>>) dst(%arg7 : memref<8x64xi32, #tpu.memory_space<vmem>>)
      tpu.yield
    }) : () -> ()
    %dma_start3A = arith.constant 0 : i32
    %dma_start3A_12 = arith.constant 0 : i32
    %dma_start3A_13 = arith.constant 0 : i32
    %dma_start3A_14 = arith.constant 0 : i32
    %dma_start3A_15 = tpu.memref_slice %arg8[%dma_start3A_12, %dma_start3A_13, %dma_start3A_14] : memref<8x64x128xi32, #tpu.memory_space<vmem>> -> memref<1x64x128xi32, #tpu.memory_space<vmem>>
    %dma_start3A_16 = tpu.memref_squeeze %dma_start3A_15 : memref<1x64x128xi32, #tpu.memory_space<vmem>> -> memref<64x128xi32, #tpu.memory_space<vmem>>
    %dma_start3A_17 = arith.constant 0 : i32
    %dma_start3A_18 = tpu.memref_slice %arg7[%dma_start3A, %dma_start3A_17] : memref<8x64xi32, #tpu.memory_space<vmem>> -> memref<1x64xi32, #tpu.memory_space<vmem>>
    %dma_start3A_19 = tpu.memref_squeeze %dma_start3A_18 : memref<1x64xi32, #tpu.memory_space<vmem>> -> memref<64xi32, #tpu.memory_space<vmem>>
    %dma_start3A_20 = arith.constant 0 : i32
    %dma_start3A_21 = arith.constant 0 : i32
    %dma_start3A_22 = tpu.memref_slice %arg9[%dma_start3A_20, %dma_start3A_21] : memref<4096x128xi32, #tpu.memory_space<vmem_shared>> -> memref<4096x128xi32, #tpu.memory_space<vmem_shared>>
    tpu.enqueue_indirect_dma source(%dma_start3A_22 : memref<4096x128xi32, #tpu.memory_space<vmem_shared>>) target(%dma_start3A_16 : memref<64x128xi32, #tpu.memory_space<vmem>>) offsets(%dma_start3A_19 : memref<64xi32, #tpu.memory_space<vmem>>) semaphore(%arg10 : memref<!tpu.dma_semaphore, #tpu.memory_space<semaphore_mem>>)
    %dma_start3A_23 = arith.constant 1 : i32
    %dma_start3A_24 = arith.constant 1 : i32
    %dma_start3A_25 = arith.constant 0 : i32
    %dma_start3A_26 = arith.constant 0 : i32
    %dma_start3A_27 = tpu.memref_slice %arg8[%dma_start3A_24, %dma_start3A_25, %dma_start3A_26] : memref<8x64x128xi32, #tpu.memory_space<vmem>> -> memref<1x64x128xi32, #tpu.memory_space<vmem>>
    %dma_start3A_28 = tpu.memref_squeeze %dma_start3A_27 : memref<1x64x128xi32, #tpu.memory_space<vmem>> -> memref<64x128xi32, #tpu.memory_space<vmem>>
    %dma_start3A_29 = arith.constant 0 : i32
    %dma_start3A_30 = tpu.memref_slice %arg7[%dma_start3A_23, %dma_start3A_29] : memref<8x64xi32, #tpu.memory_space<vmem>> -> memref<1x64xi32, #tpu.memory_space<vmem>>
    %dma_start3A_31 = tpu.memref_squeeze %dma_start3A_30 : memref<1x64xi32, #tpu.memory_space<vmem>> -> memref<64xi32, #tpu.memory_space<vmem>>
    %dma_start3A_32 = arith.constant 0 : i32
    %dma_start3A_33 = arith.constant 0 : i32
    %dma_start3A_34 = tpu.memref_slice %arg9[%dma_start3A_32, %dma_start3A_33] : memref<4096x128xi32, #tpu.memory_space<vmem_shared>> -> memref<4096x128xi32, #tpu.memory_space<vmem_shared>>
    tpu.enqueue_indirect_dma source(%dma_start3A_34 : memref<4096x128xi32, #tpu.memory_space<vmem_shared>>) target(%dma_start3A_28 : memref<64x128xi32, #tpu.memory_space<vmem>>) offsets(%dma_start3A_31 : memref<64xi32, #tpu.memory_space<vmem>>) semaphore(%arg10 : memref<!tpu.dma_semaphore, #tpu.memory_space<semaphore_mem>>)
    %dma_start3A_35 = arith.constant 2 : i32
    %dma_start3A_36 = arith.constant 2 : i32
    %dma_start3A_37 = arith.constant 0 : i32
    %dma_start3A_38 = arith.constant 0 : i32
    %dma_start3A_39 = tpu.memref_slice %arg8[%dma_start3A_36, %dma_start3A_37, %dma_start3A_38] : memref<8x64x128xi32, #tpu.memory_space<vmem>> -> memref<1x64x128xi32, #tpu.memory_space<vmem>>
    %dma_start3A_40 = tpu.memref_squeeze %dma_start3A_39 : memref<1x64x128xi32, #tpu.memory_space<vmem>> -> memref<64x128xi32, #tpu.memory_space<vmem>>
    %dma_start3A_41 = arith.constant 0 : i32
    %dma_start3A_42 = tpu.memref_slice %arg7[%dma_start3A_35, %dma_start3A_41] : memref<8x64xi32, #tpu.memory_space<vmem>> -> memref<1x64xi32, #tpu.memory_space<vmem>>
    %dma_start3A_43 = tpu.memref_squeeze %dma_start3A_42 : memref<1x64xi32, #tpu.memory_space<vmem>> -> memref<64xi32, #tpu.memory_space<vmem>>
    %dma_start3A_44 = arith.constant 0 : i32
    %dma_start3A_45 = arith.constant 0 : i32
    %dma_start3A_46 = tpu.memref_slice %arg9[%dma_start3A_44, %dma_start3A_45] : memref<4096x128xi32, #tpu.memory_space<vmem_shared>> -> memref<4096x128xi32, #tpu.memory_space<vmem_shared>>
    tpu.enqueue_indirect_dma source(%dma_start3A_46 : memref<4096x128xi32, #tpu.memory_space<vmem_shared>>) target(%dma_start3A_40 : memref<64x128xi32, #tpu.memory_space<vmem>>) offsets(%dma_start3A_43 : memref<64xi32, #tpu.memory_space<vmem>>) semaphore(%arg10 : memref<!tpu.dma_semaphore, #tpu.memory_space<semaphore_mem>>)
    %dma_start3A_47 = arith.constant 3 : i32
    %dma_start3A_48 = arith.constant 3 : i32
    %dma_start3A_49 = arith.constant 0 : i32
    %dma_start3A_50 = arith.constant 0 : i32
    %dma_start3A_51 = tpu.memref_slice %arg8[%dma_start3A_48, %dma_start3A_49, %dma_start3A_50] : memref<8x64x128xi32, #tpu.memory_space<vmem>> -> memref<1x64x128xi32, #tpu.memory_space<vmem>>
    %dma_start3A_52 = tpu.memref_squeeze %dma_start3A_51 : memref<1x64x128xi32, #tpu.memory_space<vmem>> -> memref<64x128xi32, #tpu.memory_space<vmem>>
    %dma_start3A_53 = arith.constant 0 : i32
    %dma_start3A_54 = tpu.memref_slice %arg7[%dma_start3A_47, %dma_start3A_53] : memref<8x64xi32, #tpu.memory_space<vmem>> -> memref<1x64xi32, #tpu.memory_space<vmem>>
    %dma_start3A_55 = tpu.memref_squeeze %dma_start3A_54 : memref<1x64xi32, #tpu.memory_space<vmem>> -> memref<64xi32, #tpu.memory_space<vmem>>
    %dma_start3A_56 = arith.constant 0 : i32
    %dma_start3A_57 = arith.constant 0 : i32
    %dma_start3A_58 = tpu.memref_slice %arg9[%dma_start3A_56, %dma_start3A_57] : memref<4096x128xi32, #tpu.memory_space<vmem_shared>> -> memref<4096x128xi32, #tpu.memory_space<vmem_shared>>
    tpu.enqueue_indirect_dma source(%dma_start3A_58 : memref<4096x128xi32, #tpu.memory_space<vmem_shared>>) target(%dma_start3A_52 : memref<64x128xi32, #tpu.memory_space<vmem>>) offsets(%dma_start3A_55 : memref<64xi32, #tpu.memory_space<vmem>>) semaphore(%arg10 : memref<!tpu.dma_semaphore, #tpu.memory_space<semaphore_mem>>)
    %dma_start3A_59 = arith.constant 4 : i32
    %dma_start3A_60 = arith.constant 4 : i32
    %dma_start3A_61 = arith.constant 0 : i32
    %dma_start3A_62 = arith.constant 0 : i32
    %dma_start3A_63 = tpu.memref_slice %arg8[%dma_start3A_60, %dma_start3A_61, %dma_start3A_62] : memref<8x64x128xi32, #tpu.memory_space<vmem>> -> memref<1x64x128xi32, #tpu.memory_space<vmem>>
    %dma_start3A_64 = tpu.memref_squeeze %dma_start3A_63 : memref<1x64x128xi32, #tpu.memory_space<vmem>> -> memref<64x128xi32, #tpu.memory_space<vmem>>
    %dma_start3A_65 = arith.constant 0 : i32
    %dma_start3A_66 = tpu.memref_slice %arg7[%dma_start3A_59, %dma_start3A_65] : memref<8x64xi32, #tpu.memory_space<vmem>> -> memref<1x64xi32, #tpu.memory_space<vmem>>
    %dma_start3A_67 = tpu.memref_squeeze %dma_start3A_66 : memref<1x64xi32, #tpu.memory_space<vmem>> -> memref<64xi32, #tpu.memory_space<vmem>>
    %dma_start3A_68 = arith.constant 0 : i32
    %dma_start3A_69 = arith.constant 0 : i32
    %dma_start3A_70 = tpu.memref_slice %arg9[%dma_start3A_68, %dma_start3A_69] : memref<4096x128xi32, #tpu.memory_space<vmem_shared>> -> memref<4096x128xi32, #tpu.memory_space<vmem_shared>>
    tpu.enqueue_indirect_dma source(%dma_start3A_70 : memref<4096x128xi32, #tpu.memory_space<vmem_shared>>) target(%dma_start3A_64 : memref<64x128xi32, #tpu.memory_space<vmem>>) offsets(%dma_start3A_67 : memref<64xi32, #tpu.memory_space<vmem>>) semaphore(%arg10 : memref<!tpu.dma_semaphore, #tpu.memory_space<semaphore_mem>>)
    %dma_start3A_71 = arith.constant 5 : i32
    %dma_start3A_72 = arith.constant 5 : i32
    %dma_start3A_73 = arith.constant 0 : i32
    %dma_start3A_74 = arith.constant 0 : i32
    %dma_start3A_75 = tpu.memref_slice %arg8[%dma_start3A_72, %dma_start3A_73, %dma_start3A_74] : memref<8x64x128xi32, #tpu.memory_space<vmem>> -> memref<1x64x128xi32, #tpu.memory_space<vmem>>
    %dma_start3A_76 = tpu.memref_squeeze %dma_start3A_75 : memref<1x64x128xi32, #tpu.memory_space<vmem>> -> memref<64x128xi32, #tpu.memory_space<vmem>>
    %dma_start3A_77 = arith.constant 0 : i32
    %dma_start3A_78 = tpu.memref_slice %arg7[%dma_start3A_71, %dma_start3A_77] : memref<8x64xi32, #tpu.memory_space<vmem>> -> memref<1x64xi32, #tpu.memory_space<vmem>>
    %dma_start3A_79 = tpu.memref_squeeze %dma_start3A_78 : memref<1x64xi32, #tpu.memory_space<vmem>> -> memref<64xi32, #tpu.memory_space<vmem>>
    %dma_start3A_80 = arith.constant 0 : i32
    %dma_start3A_81 = arith.constant 0 : i32
    %dma_start3A_82 = tpu.memref_slice %arg9[%dma_start3A_80, %dma_start3A_81] : memref<4096x128xi32, #tpu.memory_space<vmem_shared>> -> memref<4096x128xi32, #tpu.memory_space<vmem_shared>>
    tpu.enqueue_indirect_dma source(%dma_start3A_82 : memref<4096x128xi32, #tpu.memory_space<vmem_shared>>) target(%dma_start3A_76 : memref<64x128xi32, #tpu.memory_space<vmem>>) offsets(%dma_start3A_79 : memref<64xi32, #tpu.memory_space<vmem>>) semaphore(%arg10 : memref<!tpu.dma_semaphore, #tpu.memory_space<semaphore_mem>>)
    %dma_start3A_83 = arith.constant 6 : i32
    %dma_start3A_84 = arith.constant 6 : i32
    %dma_start3A_85 = arith.constant 0 : i32
    %dma_start3A_86 = arith.constant 0 : i32
    %dma_start3A_87 = tpu.memref_slice %arg8[%dma_start3A_84, %dma_start3A_85, %dma_start3A_86] : memref<8x64x128xi32, #tpu.memory_space<vmem>> -> memref<1x64x128xi32, #tpu.memory_space<vmem>>
    %dma_start3A_88 = tpu.memref_squeeze %dma_start3A_87 : memref<1x64x128xi32, #tpu.memory_space<vmem>> -> memref<64x128xi32, #tpu.memory_space<vmem>>
    %dma_start3A_89 = arith.constant 0 : i32
    %dma_start3A_90 = tpu.memref_slice %arg7[%dma_start3A_83, %dma_start3A_89] : memref<8x64xi32, #tpu.memory_space<vmem>> -> memref<1x64xi32, #tpu.memory_space<vmem>>
    %dma_start3A_91 = tpu.memref_squeeze %dma_start3A_90 : memref<1x64xi32, #tpu.memory_space<vmem>> -> memref<64xi32, #tpu.memory_space<vmem>>
    %dma_start3A_92 = arith.constant 0 : i32
    %dma_start3A_93 = arith.constant 0 : i32
    %dma_start3A_94 = tpu.memref_slice %arg9[%dma_start3A_92, %dma_start3A_93] : memref<4096x128xi32, #tpu.memory_space<vmem_shared>> -> memref<4096x128xi32, #tpu.memory_space<vmem_shared>>
    tpu.enqueue_indirect_dma source(%dma_start3A_94 : memref<4096x128xi32, #tpu.memory_space<vmem_shared>>) target(%dma_start3A_88 : memref<64x128xi32, #tpu.memory_space<vmem>>) offsets(%dma_start3A_91 : memref<64xi32, #tpu.memory_space<vmem>>) semaphore(%arg10 : memref<!tpu.dma_semaphore, #tpu.memory_space<semaphore_mem>>)
    %dma_start3A_95 = arith.constant 7 : i32
    %dma_start3A_96 = arith.constant 7 : i32
    %dma_start3A_97 = arith.constant 0 : i32
    %dma_start3A_98 = arith.constant 0 : i32
    %dma_start3A_99 = tpu.memref_slice %arg8[%dma_start3A_96, %dma_start3A_97, %dma_start3A_98] : memref<8x64x128xi32, #tpu.memory_space<vmem>> -> memref<1x64x128xi32, #tpu.memory_space<vmem>>
    %dma_start3A_100 = tpu.memref_squeeze %dma_start3A_99 : memref<1x64x128xi32, #tpu.memory_space<vmem>> -> memref<64x128xi32, #tpu.memory_space<vmem>>
    %dma_start3A_101 = arith.constant 0 : i32
    %dma_start3A_102 = tpu.memref_slice %arg7[%dma_start3A_95, %dma_start3A_101] : memref<8x64xi32, #tpu.memory_space<vmem>> -> memref<1x64xi32, #tpu.memory_space<vmem>>
    %dma_start3A_103 = tpu.memref_squeeze %dma_start3A_102 : memref<1x64xi32, #tpu.memory_space<vmem>> -> memref<64xi32, #tpu.memory_space<vmem>>
    %dma_start3A_104 = arith.constant 0 : i32
    %dma_start3A_105 = arith.constant 0 : i32
    %dma_start3A_106 = tpu.memref_slice %arg9[%dma_start3A_104, %dma_start3A_105] : memref<4096x128xi32, #tpu.memory_space<vmem_shared>> -> memref<4096x128xi32, #tpu.memory_space<vmem_shared>>
    tpu.enqueue_indirect_dma source(%dma_start3A_106 : memref<4096x128xi32, #tpu.memory_space<vmem_shared>>) target(%dma_start3A_100 : memref<64x128xi32, #tpu.memory_space<vmem>>) offsets(%dma_start3A_103 : memref<64xi32, #tpu.memory_space<vmem>>) semaphore(%arg10 : memref<!tpu.dma_semaphore, #tpu.memory_space<semaphore_mem>>)
    %mul3A = arith.constant 512 : i32
    %mul3A_107 = arith.muli %arg1, %mul3A : i32
    %dma_wait3A = arith.constant 0 : i32
    %dma_wait3A_108 = arith.constant 0 : i32
    %dma_wait3A_109 = arith.constant 0 : i32
    %dma_wait3A_110 = arith.constant 0 : i32
    %dma_wait3A_111 = tpu.memref_slice %arg8[%dma_wait3A_108, %dma_wait3A_109, %dma_wait3A_110] : memref<8x64x128xi32, #tpu.memory_space<vmem>> -> memref<1x64x128xi32, #tpu.memory_space<vmem>>
    %dma_wait3A_112 = tpu.memref_squeeze %dma_wait3A_111 : memref<1x64x128xi32, #tpu.memory_space<vmem>> -> memref<64x128xi32, #tpu.memory_space<vmem>>
    %dma_wait3A_113 = arith.constant 0 : i32
    %dma_wait3A_114 = tpu.memref_slice %arg7[%dma_wait3A, %dma_wait3A_113] : memref<8x64xi32, #tpu.memory_space<vmem>> -> memref<1x64xi32, #tpu.memory_space<vmem>>
    %dma_wait3A_115 = tpu.memref_squeeze %dma_wait3A_114 : memref<1x64xi32, #tpu.memory_space<vmem>> -> memref<64xi32, #tpu.memory_space<vmem>>
    %dma_wait3A_116 = arith.constant 0 : i32
    %dma_wait3A_117 = arith.constant 0 : i32
    %dma_wait3A_118 = tpu.memref_slice %arg9[%dma_wait3A_116, %dma_wait3A_117] : memref<4096x128xi32, #tpu.memory_space<vmem_shared>> -> memref<4096x128xi32, #tpu.memory_space<vmem_shared>>
    tpu.wait_indirect_dma semaphore(%arg10 : memref<!tpu.dma_semaphore, #tpu.memory_space<semaphore_mem>>) src(%dma_wait3A_118 : memref<4096x128xi32, #tpu.memory_space<vmem_shared>>) dst(%dma_wait3A_112 : memref<64x128xi32, #tpu.memory_space<vmem>>)
    %eq3A_119 = arith.constant 0 : i32
    %eq3A_120 = arith.cmpi eq, %arg0, %eq3A_119 : i32
    %convert_element_type3A_121 = arith.extui %eq3A_120 : i1 to i32
    %cond3A_122 = arith.constant 0 : i32
    %cond3A_123 = arith.cmpi ne, %convert_element_type3A_121, %cond3A_122 : i32
    scf.if %cond3A_123 {
      %add3A = arith.constant 0 : i32
      %add3A_283 = arith.addi %mul3A_107, %add3A : i32
      %run_scoped3A = arith.constant 0 : i32
      "tpu.region"() ({
        %run_scoped3A_284 = tpu.sem_alloc : memref<!tpu.dma_semaphore, #tpu.memory_space<semaphore_mem>>
        %dma_start3A_285 = arith.constant 0 : i32
        %dma_start3A_286 = arith.constant 0 : i32
        %dma_start3A_287 = tpu.memref_slice %arg8[%run_scoped3A, %dma_start3A_285, %dma_start3A_286] : memref<8x64x128xi32, #tpu.memory_space<vmem>> -> memref<1x64x128xi32, #tpu.memory_space<vmem>>
        %dma_start3A_288 = tpu.memref_squeeze %dma_start3A_287 : memref<1x64x128xi32, #tpu.memory_space<vmem>> -> memref<64x128xi32, #tpu.memory_space<vmem>>
        %dma_start3A_289 = arith.constant 0 : i32
        %dma_start3A_290 = tpu.memref_slice %arg5[%add3A_283, %dma_start3A_289] : memref<8192x128xi32, #tpu.memory_space<hbm>> -> memref<64x128xi32, #tpu.memory_space<hbm>>
        %dma_start3A_291 = arith.constant 0 : i32
        %dma_start3A_292 = tpu.memref_slice %arg5[%add3A_283, %dma_start3A_291] : memref<8192x128xi32, #tpu.memory_space<hbm>> -> memref<64x128xi32, #tpu.memory_space<hbm>>
        %dma_start3A_293 = arith.constant 0 : i32
        %dma_start3A_294 = arith.constant 0 : i32
        %dma_start3A_295 = tpu.memref_slice %arg8[%run_scoped3A, %dma_start3A_293, %dma_start3A_294] : memref<8x64x128xi32, #tpu.memory_space<vmem>> -> memref<1x64x128xi32, #tpu.memory_space<vmem>>
        %dma_start3A_296 = tpu.memref_squeeze %dma_start3A_295 : memref<1x64x128xi32, #tpu.memory_space<vmem>> -> memref<64x128xi32, #tpu.memory_space<vmem>>
        tpu.enqueue_dma source(%dma_start3A_296 : memref<64x128xi32, #tpu.memory_space<vmem>>) target(%dma_start3A_292 : memref<64x128xi32, #tpu.memory_space<hbm>>) target_semaphore(%run_scoped3A_284 : memref<!tpu.dma_semaphore, #tpu.memory_space<semaphore_mem>>)
        %dma_wait3A_297 = arith.constant 0 : i32
        %dma_wait3A_298 = arith.constant 0 : i32
        %dma_wait3A_299 = tpu.memref_slice %arg8[%run_scoped3A, %dma_wait3A_297, %dma_wait3A_298] : memref<8x64x128xi32, #tpu.memory_space<vmem>> -> memref<1x64x128xi32, #tpu.memory_space<vmem>>
        %dma_wait3A_300 = tpu.memref_squeeze %dma_wait3A_299 : memref<1x64x128xi32, #tpu.memory_space<vmem>> -> memref<64x128xi32, #tpu.memory_space<vmem>>
        %dma_wait3A_301 = arith.constant 0 : i32
        %dma_wait3A_302 = tpu.memref_slice %arg5[%add3A_283, %dma_wait3A_301] : memref<8192x128xi32, #tpu.memory_space<hbm>> -> memref<64x128xi32, #tpu.memory_space<hbm>>
        %dma_wait3A_303 = arith.constant 0 : i32
        %dma_wait3A_304 = tpu.memref_slice %arg5[%add3A_283, %dma_wait3A_303] : memref<8192x128xi32, #tpu.memory_space<hbm>> -> memref<64x128xi32, #tpu.memory_space<hbm>>
        %dma_wait3A_305 = arith.constant 0 : i32
        %dma_wait3A_306 = arith.constant 0 : i32
        %dma_wait3A_307 = tpu.memref_slice %arg8[%run_scoped3A, %dma_wait3A_305, %dma_wait3A_306] : memref<8x64x128xi32, #tpu.memory_space<vmem>> -> memref<1x64x128xi32, #tpu.memory_space<vmem>>
        %dma_wait3A_308 = tpu.memref_squeeze %dma_wait3A_307 : memref<1x64x128xi32, #tpu.memory_space<vmem>> -> memref<64x128xi32, #tpu.memory_space<vmem>>
        tpu.wait_dma2 semaphore(%run_scoped3A_284 : memref<!tpu.dma_semaphore, #tpu.memory_space<semaphore_mem>>) src(%dma_wait3A_308 : memref<64x128xi32, #tpu.memory_space<vmem>>) dst(%dma_wait3A_304 : memref<64x128xi32, #tpu.memory_space<hbm>>)
        tpu.yield
      }) : () -> ()
    } else {
    }
    %eq3A_124 = arith.constant 1 : i32
    %eq3A_125 = arith.cmpi eq, %arg0, %eq3A_124 : i32
    %convert_element_type3A_126 = arith.extui %eq3A_125 : i1 to i32
    %cond3A_127 = arith.constant 0 : i32
    %cond3A_128 = arith.cmpi ne, %convert_element_type3A_126, %cond3A_127 : i32
    scf.if %cond3A_128 {
      %add3A = arith.constant 0 : i32
      %add3A_283 = arith.addi %mul3A_107, %add3A : i32
      %run_scoped3A = arith.constant 0 : i32
      "tpu.region"() ({
        %run_scoped3A_284 = tpu.sem_alloc : memref<!tpu.dma_semaphore, #tpu.memory_space<semaphore_mem>>
        %dma_start3A_285 = arith.constant 0 : i32
        %dma_start3A_286 = arith.constant 0 : i32
        %dma_start3A_287 = tpu.memref_slice %arg8[%run_scoped3A, %dma_start3A_285, %dma_start3A_286] : memref<8x64x128xi32, #tpu.memory_space<vmem>> -> memref<1x64x128xi32, #tpu.memory_space<vmem>>
        %dma_start3A_288 = tpu.memref_squeeze %dma_start3A_287 : memref<1x64x128xi32, #tpu.memory_space<vmem>> -> memref<64x128xi32, #tpu.memory_space<vmem>>
        %dma_start3A_289 = arith.constant 0 : i32
        %dma_start3A_290 = tpu.memref_slice %arg6[%add3A_283, %dma_start3A_289] : memref<8192x128xi32, #tpu.memory_space<hbm>> -> memref<64x128xi32, #tpu.memory_space<hbm>>
        %dma_start3A_291 = arith.constant 0 : i32
        %dma_start3A_292 = tpu.memref_slice %arg6[%add3A_283, %dma_start3A_291] : memref<8192x128xi32, #tpu.memory_space<hbm>> -> memref<64x128xi32, #tpu.memory_space<hbm>>
        %dma_start3A_293 = arith.constant 0 : i32
        %dma_start3A_294 = arith.constant 0 : i32
        %dma_start3A_295 = tpu.memref_slice %arg8[%run_scoped3A, %dma_start3A_293, %dma_start3A_294] : memref<8x64x128xi32, #tpu.memory_space<vmem>> -> memref<1x64x128xi32, #tpu.memory_space<vmem>>
        %dma_start3A_296 = tpu.memref_squeeze %dma_start3A_295 : memref<1x64x128xi32, #tpu.memory_space<vmem>> -> memref<64x128xi32, #tpu.memory_space<vmem>>
        tpu.enqueue_dma source(%dma_start3A_296 : memref<64x128xi32, #tpu.memory_space<vmem>>) target(%dma_start3A_292 : memref<64x128xi32, #tpu.memory_space<hbm>>) target_semaphore(%run_scoped3A_284 : memref<!tpu.dma_semaphore, #tpu.memory_space<semaphore_mem>>)
        %dma_wait3A_297 = arith.constant 0 : i32
        %dma_wait3A_298 = arith.constant 0 : i32
        %dma_wait3A_299 = tpu.memref_slice %arg8[%run_scoped3A, %dma_wait3A_297, %dma_wait3A_298] : memref<8x64x128xi32, #tpu.memory_space<vmem>> -> memref<1x64x128xi32, #tpu.memory_space<vmem>>
        %dma_wait3A_300 = tpu.memref_squeeze %dma_wait3A_299 : memref<1x64x128xi32, #tpu.memory_space<vmem>> -> memref<64x128xi32, #tpu.memory_space<vmem>>
        %dma_wait3A_301 = arith.constant 0 : i32
        %dma_wait3A_302 = tpu.memref_slice %arg6[%add3A_283, %dma_wait3A_301] : memref<8192x128xi32, #tpu.memory_space<hbm>> -> memref<64x128xi32, #tpu.memory_space<hbm>>
        %dma_wait3A_303 = arith.constant 0 : i32
        %dma_wait3A_304 = tpu.memref_slice %arg6[%add3A_283, %dma_wait3A_303] : memref<8192x128xi32, #tpu.memory_space<hbm>> -> memref<64x128xi32, #tpu.memory_space<hbm>>
        %dma_wait3A_305 = arith.constant 0 : i32
        %dma_wait3A_306 = arith.constant 0 : i32
        %dma_wait3A_307 = tpu.memref_slice %arg8[%run_scoped3A, %dma_wait3A_305, %dma_wait3A_306] : memref<8x64x128xi32, #tpu.memory_space<vmem>> -> memref<1x64x128xi32, #tpu.memory_space<vmem>>
        %dma_wait3A_308 = tpu.memref_squeeze %dma_wait3A_307 : memref<1x64x128xi32, #tpu.memory_space<vmem>> -> memref<64x128xi32, #tpu.memory_space<vmem>>
        tpu.wait_dma2 semaphore(%run_scoped3A_284 : memref<!tpu.dma_semaphore, #tpu.memory_space<semaphore_mem>>) src(%dma_wait3A_308 : memref<64x128xi32, #tpu.memory_space<vmem>>) dst(%dma_wait3A_304 : memref<64x128xi32, #tpu.memory_space<hbm>>)
        tpu.yield
      }) : () -> ()
    } else {
    }
    %dma_wait3A_129 = arith.constant 1 : i32
    %dma_wait3A_130 = arith.constant 1 : i32
    %dma_wait3A_131 = arith.constant 0 : i32
    %dma_wait3A_132 = arith.constant 0 : i32
    %dma_wait3A_133 = tpu.memref_slice %arg8[%dma_wait3A_130, %dma_wait3A_131, %dma_wait3A_132] : memref<8x64x128xi32, #tpu.memory_space<vmem>> -> memref<1x64x128xi32, #tpu.memory_space<vmem>>
    %dma_wait3A_134 = tpu.memref_squeeze %dma_wait3A_133 : memref<1x64x128xi32, #tpu.memory_space<vmem>> -> memref<64x128xi32, #tpu.memory_space<vmem>>
    %dma_wait3A_135 = arith.constant 0 : i32
    %dma_wait3A_136 = tpu.memref_slice %arg7[%dma_wait3A_129, %dma_wait3A_135] : memref<8x64xi32, #tpu.memory_space<vmem>> -> memref<1x64xi32, #tpu.memory_space<vmem>>
    %dma_wait3A_137 = tpu.memref_squeeze %dma_wait3A_136 : memref<1x64xi32, #tpu.memory_space<vmem>> -> memref<64xi32, #tpu.memory_space<vmem>>
    %dma_wait3A_138 = arith.constant 0 : i32
    %dma_wait3A_139 = arith.constant 0 : i32
    %dma_wait3A_140 = tpu.memref_slice %arg9[%dma_wait3A_138, %dma_wait3A_139] : memref<4096x128xi32, #tpu.memory_space<vmem_shared>> -> memref<4096x128xi32, #tpu.memory_space<vmem_shared>>
    tpu.wait_indirect_dma semaphore(%arg10 : memref<!tpu.dma_semaphore, #tpu.memory_space<semaphore_mem>>) src(%dma_wait3A_140 : memref<4096x128xi32, #tpu.memory_space<vmem_shared>>) dst(%dma_wait3A_134 : memref<64x128xi32, #tpu.memory_space<vmem>>)
    %eq3A_141 = arith.constant 0 : i32
    %eq3A_142 = arith.cmpi eq, %arg0, %eq3A_141 : i32
    %convert_element_type3A_143 = arith.extui %eq3A_142 : i1 to i32
    %cond3A_144 = arith.constant 0 : i32
    %cond3A_145 = arith.cmpi ne, %convert_element_type3A_143, %cond3A_144 : i32
    scf.if %cond3A_145 {
      %add3A = arith.constant 64 : i32
      %add3A_283 = arith.addi %mul3A_107, %add3A : i32
      %run_scoped3A = arith.constant 1 : i32
      "tpu.region"() ({
        %run_scoped3A_284 = tpu.sem_alloc : memref<!tpu.dma_semaphore, #tpu.memory_space<semaphore_mem>>
        %dma_start3A_285 = arith.constant 0 : i32
        %dma_start3A_286 = arith.constant 0 : i32
        %dma_start3A_287 = tpu.memref_slice %arg8[%run_scoped3A, %dma_start3A_285, %dma_start3A_286] : memref<8x64x128xi32, #tpu.memory_space<vmem>> -> memref<1x64x128xi32, #tpu.memory_space<vmem>>
        %dma_start3A_288 = tpu.memref_squeeze %dma_start3A_287 : memref<1x64x128xi32, #tpu.memory_space<vmem>> -> memref<64x128xi32, #tpu.memory_space<vmem>>
        %dma_start3A_289 = arith.constant 0 : i32
        %dma_start3A_290 = tpu.memref_slice %arg5[%add3A_283, %dma_start3A_289] : memref<8192x128xi32, #tpu.memory_space<hbm>> -> memref<64x128xi32, #tpu.memory_space<hbm>>
        %dma_start3A_291 = arith.constant 0 : i32
        %dma_start3A_292 = tpu.memref_slice %arg5[%add3A_283, %dma_start3A_291] : memref<8192x128xi32, #tpu.memory_space<hbm>> -> memref<64x128xi32, #tpu.memory_space<hbm>>
        %dma_start3A_293 = arith.constant 0 : i32
        %dma_start3A_294 = arith.constant 0 : i32
        %dma_start3A_295 = tpu.memref_slice %arg8[%run_scoped3A, %dma_start3A_293, %dma_start3A_294] : memref<8x64x128xi32, #tpu.memory_space<vmem>> -> memref<1x64x128xi32, #tpu.memory_space<vmem>>
        %dma_start3A_296 = tpu.memref_squeeze %dma_start3A_295 : memref<1x64x128xi32, #tpu.memory_space<vmem>> -> memref<64x128xi32, #tpu.memory_space<vmem>>
        tpu.enqueue_dma source(%dma_start3A_296 : memref<64x128xi32, #tpu.memory_space<vmem>>) target(%dma_start3A_292 : memref<64x128xi32, #tpu.memory_space<hbm>>) target_semaphore(%run_scoped3A_284 : memref<!tpu.dma_semaphore, #tpu.memory_space<semaphore_mem>>)
        %dma_wait3A_297 = arith.constant 0 : i32
        %dma_wait3A_298 = arith.constant 0 : i32
        %dma_wait3A_299 = tpu.memref_slice %arg8[%run_scoped3A, %dma_wait3A_297, %dma_wait3A_298] : memref<8x64x128xi32, #tpu.memory_space<vmem>> -> memref<1x64x128xi32, #tpu.memory_space<vmem>>
        %dma_wait3A_300 = tpu.memref_squeeze %dma_wait3A_299 : memref<1x64x128xi32, #tpu.memory_space<vmem>> -> memref<64x128xi32, #tpu.memory_space<vmem>>
        %dma_wait3A_301 = arith.constant 0 : i32
        %dma_wait3A_302 = tpu.memref_slice %arg5[%add3A_283, %dma_wait3A_301] : memref<8192x128xi32, #tpu.memory_space<hbm>> -> memref<64x128xi32, #tpu.memory_space<hbm>>
        %dma_wait3A_303 = arith.constant 0 : i32
        %dma_wait3A_304 = tpu.memref_slice %arg5[%add3A_283, %dma_wait3A_303] : memref<8192x128xi32, #tpu.memory_space<hbm>> -> memref<64x128xi32, #tpu.memory_space<hbm>>
        %dma_wait3A_305 = arith.constant 0 : i32
        %dma_wait3A_306 = arith.constant 0 : i32
        %dma_wait3A_307 = tpu.memref_slice %arg8[%run_scoped3A, %dma_wait3A_305, %dma_wait3A_306] : memref<8x64x128xi32, #tpu.memory_space<vmem>> -> memref<1x64x128xi32, #tpu.memory_space<vmem>>
        %dma_wait3A_308 = tpu.memref_squeeze %dma_wait3A_307 : memref<1x64x128xi32, #tpu.memory_space<vmem>> -> memref<64x128xi32, #tpu.memory_space<vmem>>
        tpu.wait_dma2 semaphore(%run_scoped3A_284 : memref<!tpu.dma_semaphore, #tpu.memory_space<semaphore_mem>>) src(%dma_wait3A_308 : memref<64x128xi32, #tpu.memory_space<vmem>>) dst(%dma_wait3A_304 : memref<64x128xi32, #tpu.memory_space<hbm>>)
        tpu.yield
      }) : () -> ()
    } else {
    }
    %eq3A_146 = arith.constant 1 : i32
    %eq3A_147 = arith.cmpi eq, %arg0, %eq3A_146 : i32
    %convert_element_type3A_148 = arith.extui %eq3A_147 : i1 to i32
    %cond3A_149 = arith.constant 0 : i32
    %cond3A_150 = arith.cmpi ne, %convert_element_type3A_148, %cond3A_149 : i32
    scf.if %cond3A_150 {
      %add3A = arith.constant 64 : i32
      %add3A_283 = arith.addi %mul3A_107, %add3A : i32
      %run_scoped3A = arith.constant 1 : i32
      "tpu.region"() ({
        %run_scoped3A_284 = tpu.sem_alloc : memref<!tpu.dma_semaphore, #tpu.memory_space<semaphore_mem>>
        %dma_start3A_285 = arith.constant 0 : i32
        %dma_start3A_286 = arith.constant 0 : i32
        %dma_start3A_287 = tpu.memref_slice %arg8[%run_scoped3A, %dma_start3A_285, %dma_start3A_286] : memref<8x64x128xi32, #tpu.memory_space<vmem>> -> memref<1x64x128xi32, #tpu.memory_space<vmem>>
        %dma_start3A_288 = tpu.memref_squeeze %dma_start3A_287 : memref<1x64x128xi32, #tpu.memory_space<vmem>> -> memref<64x128xi32, #tpu.memory_space<vmem>>
        %dma_start3A_289 = arith.constant 0 : i32
        %dma_start3A_290 = tpu.memref_slice %arg6[%add3A_283, %dma_start3A_289] : memref<8192x128xi32, #tpu.memory_space<hbm>> -> memref<64x128xi32, #tpu.memory_space<hbm>>
        %dma_start3A_291 = arith.constant 0 : i32
        %dma_start3A_292 = tpu.memref_slice %arg6[%add3A_283, %dma_start3A_291] : memref<8192x128xi32, #tpu.memory_space<hbm>> -> memref<64x128xi32, #tpu.memory_space<hbm>>
        %dma_start3A_293 = arith.constant 0 : i32
        %dma_start3A_294 = arith.constant 0 : i32
        %dma_start3A_295 = tpu.memref_slice %arg8[%run_scoped3A, %dma_start3A_293, %dma_start3A_294] : memref<8x64x128xi32, #tpu.memory_space<vmem>> -> memref<1x64x128xi32, #tpu.memory_space<vmem>>
        %dma_start3A_296 = tpu.memref_squeeze %dma_start3A_295 : memref<1x64x128xi32, #tpu.memory_space<vmem>> -> memref<64x128xi32, #tpu.memory_space<vmem>>
        tpu.enqueue_dma source(%dma_start3A_296 : memref<64x128xi32, #tpu.memory_space<vmem>>) target(%dma_start3A_292 : memref<64x128xi32, #tpu.memory_space<hbm>>) target_semaphore(%run_scoped3A_284 : memref<!tpu.dma_semaphore, #tpu.memory_space<semaphore_mem>>)
        %dma_wait3A_297 = arith.constant 0 : i32
        %dma_wait3A_298 = arith.constant 0 : i32
        %dma_wait3A_299 = tpu.memref_slice %arg8[%run_scoped3A, %dma_wait3A_297, %dma_wait3A_298] : memref<8x64x128xi32, #tpu.memory_space<vmem>> -> memref<1x64x128xi32, #tpu.memory_space<vmem>>
        %dma_wait3A_300 = tpu.memref_squeeze %dma_wait3A_299 : memref<1x64x128xi32, #tpu.memory_space<vmem>> -> memref<64x128xi32, #tpu.memory_space<vmem>>
        %dma_wait3A_301 = arith.constant 0 : i32
        %dma_wait3A_302 = tpu.memref_slice %arg6[%add3A_283, %dma_wait3A_301] : memref<8192x128xi32, #tpu.memory_space<hbm>> -> memref<64x128xi32, #tpu.memory_space<hbm>>
        %dma_wait3A_303 = arith.constant 0 : i32
        %dma_wait3A_304 = tpu.memref_slice %arg6[%add3A_283, %dma_wait3A_303] : memref<8192x128xi32, #tpu.memory_space<hbm>> -> memref<64x128xi32, #tpu.memory_space<hbm>>
        %dma_wait3A_305 = arith.constant 0 : i32
        %dma_wait3A_306 = arith.constant 0 : i32
        %dma_wait3A_307 = tpu.memref_slice %arg8[%run_scoped3A, %dma_wait3A_305, %dma_wait3A_306] : memref<8x64x128xi32, #tpu.memory_space<vmem>> -> memref<1x64x128xi32, #tpu.memory_space<vmem>>
        %dma_wait3A_308 = tpu.memref_squeeze %dma_wait3A_307 : memref<1x64x128xi32, #tpu.memory_space<vmem>> -> memref<64x128xi32, #tpu.memory_space<vmem>>
        tpu.wait_dma2 semaphore(%run_scoped3A_284 : memref<!tpu.dma_semaphore, #tpu.memory_space<semaphore_mem>>) src(%dma_wait3A_308 : memref<64x128xi32, #tpu.memory_space<vmem>>) dst(%dma_wait3A_304 : memref<64x128xi32, #tpu.memory_space<hbm>>)
        tpu.yield
      }) : () -> ()
    } else {
    }
    %dma_wait3A_151 = arith.constant 2 : i32
    %dma_wait3A_152 = arith.constant 2 : i32
    %dma_wait3A_153 = arith.constant 0 : i32
    %dma_wait3A_154 = arith.constant 0 : i32
    %dma_wait3A_155 = tpu.memref_slice %arg8[%dma_wait3A_152, %dma_wait3A_153, %dma_wait3A_154] : memref<8x64x128xi32, #tpu.memory_space<vmem>> -> memref<1x64x128xi32, #tpu.memory_space<vmem>>
    %dma_wait3A_156 = tpu.memref_squeeze %dma_wait3A_155 : memref<1x64x128xi32, #tpu.memory_space<vmem>> -> memref<64x128xi32, #tpu.memory_space<vmem>>
    %dma_wait3A_157 = arith.constant 0 : i32
    %dma_wait3A_158 = tpu.memref_slice %arg7[%dma_wait3A_151, %dma_wait3A_157] : memref<8x64xi32, #tpu.memory_space<vmem>> -> memref<1x64xi32, #tpu.memory_space<vmem>>
    %dma_wait3A_159 = tpu.memref_squeeze %dma_wait3A_158 : memref<1x64xi32, #tpu.memory_space<vmem>> -> memref<64xi32, #tpu.memory_space<vmem>>
    %dma_wait3A_160 = arith.constant 0 : i32
    %dma_wait3A_161 = arith.constant 0 : i32
    %dma_wait3A_162 = tpu.memref_slice %arg9[%dma_wait3A_160, %dma_wait3A_161] : memref<4096x128xi32, #tpu.memory_space<vmem_shared>> -> memref<4096x128xi32, #tpu.memory_space<vmem_shared>>
    tpu.wait_indirect_dma semaphore(%arg10 : memref<!tpu.dma_semaphore, #tpu.memory_space<semaphore_mem>>) src(%dma_wait3A_162 : memref<4096x128xi32, #tpu.memory_space<vmem_shared>>) dst(%dma_wait3A_156 : memref<64x128xi32, #tpu.memory_space<vmem>>)
    %eq3A_163 = arith.constant 0 : i32
    %eq3A_164 = arith.cmpi eq, %arg0, %eq3A_163 : i32
    %convert_element_type3A_165 = arith.extui %eq3A_164 : i1 to i32
    %cond3A_166 = arith.constant 0 : i32
    %cond3A_167 = arith.cmpi ne, %convert_element_type3A_165, %cond3A_166 : i32
    scf.if %cond3A_167 {
      %add3A = arith.constant 128 : i32
      %add3A_283 = arith.addi %mul3A_107, %add3A : i32
      %run_scoped3A = arith.constant 2 : i32
      "tpu.region"() ({
        %run_scoped3A_284 = tpu.sem_alloc : memref<!tpu.dma_semaphore, #tpu.memory_space<semaphore_mem>>
        %dma_start3A_285 = arith.constant 0 : i32
        %dma_start3A_286 = arith.constant 0 : i32
        %dma_start3A_287 = tpu.memref_slice %arg8[%run_scoped3A, %dma_start3A_285, %dma_start3A_286] : memref<8x64x128xi32, #tpu.memory_space<vmem>> -> memref<1x64x128xi32, #tpu.memory_space<vmem>>
        %dma_start3A_288 = tpu.memref_squeeze %dma_start3A_287 : memref<1x64x128xi32, #tpu.memory_space<vmem>> -> memref<64x128xi32, #tpu.memory_space<vmem>>
        %dma_start3A_289 = arith.constant 0 : i32
        %dma_start3A_290 = tpu.memref_slice %arg5[%add3A_283, %dma_start3A_289] : memref<8192x128xi32, #tpu.memory_space<hbm>> -> memref<64x128xi32, #tpu.memory_space<hbm>>
        %dma_start3A_291 = arith.constant 0 : i32
        %dma_start3A_292 = tpu.memref_slice %arg5[%add3A_283, %dma_start3A_291] : memref<8192x128xi32, #tpu.memory_space<hbm>> -> memref<64x128xi32, #tpu.memory_space<hbm>>
        %dma_start3A_293 = arith.constant 0 : i32
        %dma_start3A_294 = arith.constant 0 : i32
        %dma_start3A_295 = tpu.memref_slice %arg8[%run_scoped3A, %dma_start3A_293, %dma_start3A_294] : memref<8x64x128xi32, #tpu.memory_space<vmem>> -> memref<1x64x128xi32, #tpu.memory_space<vmem>>
        %dma_start3A_296 = tpu.memref_squeeze %dma_start3A_295 : memref<1x64x128xi32, #tpu.memory_space<vmem>> -> memref<64x128xi32, #tpu.memory_space<vmem>>
        tpu.enqueue_dma source(%dma_start3A_296 : memref<64x128xi32, #tpu.memory_space<vmem>>) target(%dma_start3A_292 : memref<64x128xi32, #tpu.memory_space<hbm>>) target_semaphore(%run_scoped3A_284 : memref<!tpu.dma_semaphore, #tpu.memory_space<semaphore_mem>>)
        %dma_wait3A_297 = arith.constant 0 : i32
        %dma_wait3A_298 = arith.constant 0 : i32
        %dma_wait3A_299 = tpu.memref_slice %arg8[%run_scoped3A, %dma_wait3A_297, %dma_wait3A_298] : memref<8x64x128xi32, #tpu.memory_space<vmem>> -> memref<1x64x128xi32, #tpu.memory_space<vmem>>
        %dma_wait3A_300 = tpu.memref_squeeze %dma_wait3A_299 : memref<1x64x128xi32, #tpu.memory_space<vmem>> -> memref<64x128xi32, #tpu.memory_space<vmem>>
        %dma_wait3A_301 = arith.constant 0 : i32
        %dma_wait3A_302 = tpu.memref_slice %arg5[%add3A_283, %dma_wait3A_301] : memref<8192x128xi32, #tpu.memory_space<hbm>> -> memref<64x128xi32, #tpu.memory_space<hbm>>
        %dma_wait3A_303 = arith.constant 0 : i32
        %dma_wait3A_304 = tpu.memref_slice %arg5[%add3A_283, %dma_wait3A_303] : memref<8192x128xi32, #tpu.memory_space<hbm>> -> memref<64x128xi32, #tpu.memory_space<hbm>>
        %dma_wait3A_305 = arith.constant 0 : i32
        %dma_wait3A_306 = arith.constant 0 : i32
        %dma_wait3A_307 = tpu.memref_slice %arg8[%run_scoped3A, %dma_wait3A_305, %dma_wait3A_306] : memref<8x64x128xi32, #tpu.memory_space<vmem>> -> memref<1x64x128xi32, #tpu.memory_space<vmem>>
        %dma_wait3A_308 = tpu.memref_squeeze %dma_wait3A_307 : memref<1x64x128xi32, #tpu.memory_space<vmem>> -> memref<64x128xi32, #tpu.memory_space<vmem>>
        tpu.wait_dma2 semaphore(%run_scoped3A_284 : memref<!tpu.dma_semaphore, #tpu.memory_space<semaphore_mem>>) src(%dma_wait3A_308 : memref<64x128xi32, #tpu.memory_space<vmem>>) dst(%dma_wait3A_304 : memref<64x128xi32, #tpu.memory_space<hbm>>)
        tpu.yield
      }) : () -> ()
    } else {
    }
    %eq3A_168 = arith.constant 1 : i32
    %eq3A_169 = arith.cmpi eq, %arg0, %eq3A_168 : i32
    %convert_element_type3A_170 = arith.extui %eq3A_169 : i1 to i32
    %cond3A_171 = arith.constant 0 : i32
    %cond3A_172 = arith.cmpi ne, %convert_element_type3A_170, %cond3A_171 : i32
    scf.if %cond3A_172 {
      %add3A = arith.constant 128 : i32
      %add3A_283 = arith.addi %mul3A_107, %add3A : i32
      %run_scoped3A = arith.constant 2 : i32
      "tpu.region"() ({
        %run_scoped3A_284 = tpu.sem_alloc : memref<!tpu.dma_semaphore, #tpu.memory_space<semaphore_mem>>
        %dma_start3A_285 = arith.constant 0 : i32
        %dma_start3A_286 = arith.constant 0 : i32
        %dma_start3A_287 = tpu.memref_slice %arg8[%run_scoped3A, %dma_start3A_285, %dma_start3A_286] : memref<8x64x128xi32, #tpu.memory_space<vmem>> -> memref<1x64x128xi32, #tpu.memory_space<vmem>>
        %dma_start3A_288 = tpu.memref_squeeze %dma_start3A_287 : memref<1x64x128xi32, #tpu.memory_space<vmem>> -> memref<64x128xi32, #tpu.memory_space<vmem>>
        %dma_start3A_289 = arith.constant 0 : i32
        %dma_start3A_290 = tpu.memref_slice %arg6[%add3A_283, %dma_start3A_289] : memref<8192x128xi32, #tpu.memory_space<hbm>> -> memref<64x128xi32, #tpu.memory_space<hbm>>
        %dma_start3A_291 = arith.constant 0 : i32
        %dma_start3A_292 = tpu.memref_slice %arg6[%add3A_283, %dma_start3A_291] : memref<8192x128xi32, #tpu.memory_space<hbm>> -> memref<64x128xi32, #tpu.memory_space<hbm>>
        %dma_start3A_293 = arith.constant 0 : i32
        %dma_start3A_294 = arith.constant 0 : i32
        %dma_start3A_295 = tpu.memref_slice %arg8[%run_scoped3A, %dma_start3A_293, %dma_start3A_294] : memref<8x64x128xi32, #tpu.memory_space<vmem>> -> memref<1x64x128xi32, #tpu.memory_space<vmem>>
        %dma_start3A_296 = tpu.memref_squeeze %dma_start3A_295 : memref<1x64x128xi32, #tpu.memory_space<vmem>> -> memref<64x128xi32, #tpu.memory_space<vmem>>
        tpu.enqueue_dma source(%dma_start3A_296 : memref<64x128xi32, #tpu.memory_space<vmem>>) target(%dma_start3A_292 : memref<64x128xi32, #tpu.memory_space<hbm>>) target_semaphore(%run_scoped3A_284 : memref<!tpu.dma_semaphore, #tpu.memory_space<semaphore_mem>>)
        %dma_wait3A_297 = arith.constant 0 : i32
        %dma_wait3A_298 = arith.constant 0 : i32
        %dma_wait3A_299 = tpu.memref_slice %arg8[%run_scoped3A, %dma_wait3A_297, %dma_wait3A_298] : memref<8x64x128xi32, #tpu.memory_space<vmem>> -> memref<1x64x128xi32, #tpu.memory_space<vmem>>
        %dma_wait3A_300 = tpu.memref_squeeze %dma_wait3A_299 : memref<1x64x128xi32, #tpu.memory_space<vmem>> -> memref<64x128xi32, #tpu.memory_space<vmem>>
        %dma_wait3A_301 = arith.constant 0 : i32
        %dma_wait3A_302 = tpu.memref_slice %arg6[%add3A_283, %dma_wait3A_301] : memref<8192x128xi32, #tpu.memory_space<hbm>> -> memref<64x128xi32, #tpu.memory_space<hbm>>
        %dma_wait3A_303 = arith.constant 0 : i32
        %dma_wait3A_304 = tpu.memref_slice %arg6[%add3A_283, %dma_wait3A_303] : memref<8192x128xi32, #tpu.memory_space<hbm>> -> memref<64x128xi32, #tpu.memory_space<hbm>>
        %dma_wait3A_305 = arith.constant 0 : i32
        %dma_wait3A_306 = arith.constant 0 : i32
        %dma_wait3A_307 = tpu.memref_slice %arg8[%run_scoped3A, %dma_wait3A_305, %dma_wait3A_306] : memref<8x64x128xi32, #tpu.memory_space<vmem>> -> memref<1x64x128xi32, #tpu.memory_space<vmem>>
        %dma_wait3A_308 = tpu.memref_squeeze %dma_wait3A_307 : memref<1x64x128xi32, #tpu.memory_space<vmem>> -> memref<64x128xi32, #tpu.memory_space<vmem>>
        tpu.wait_dma2 semaphore(%run_scoped3A_284 : memref<!tpu.dma_semaphore, #tpu.memory_space<semaphore_mem>>) src(%dma_wait3A_308 : memref<64x128xi32, #tpu.memory_space<vmem>>) dst(%dma_wait3A_304 : memref<64x128xi32, #tpu.memory_space<hbm>>)
        tpu.yield
      }) : () -> ()
    } else {
    }
    %dma_wait3A_173 = arith.constant 3 : i32
    %dma_wait3A_174 = arith.constant 3 : i32
    %dma_wait3A_175 = arith.constant 0 : i32
    %dma_wait3A_176 = arith.constant 0 : i32
    %dma_wait3A_177 = tpu.memref_slice %arg8[%dma_wait3A_174, %dma_wait3A_175, %dma_wait3A_176] : memref<8x64x128xi32, #tpu.memory_space<vmem>> -> memref<1x64x128xi32, #tpu.memory_space<vmem>>
    %dma_wait3A_178 = tpu.memref_squeeze %dma_wait3A_177 : memref<1x64x128xi32, #tpu.memory_space<vmem>> -> memref<64x128xi32, #tpu.memory_space<vmem>>
    %dma_wait3A_179 = arith.constant 0 : i32
    %dma_wait3A_180 = tpu.memref_slice %arg7[%dma_wait3A_173, %dma_wait3A_179] : memref<8x64xi32, #tpu.memory_space<vmem>> -> memref<1x64xi32, #tpu.memory_space<vmem>>
    %dma_wait3A_181 = tpu.memref_squeeze %dma_wait3A_180 : memref<1x64xi32, #tpu.memory_space<vmem>> -> memref<64xi32, #tpu.memory_space<vmem>>
    %dma_wait3A_182 = arith.constant 0 : i32
    %dma_wait3A_183 = arith.constant 0 : i32
    %dma_wait3A_184 = tpu.memref_slice %arg9[%dma_wait3A_182, %dma_wait3A_183] : memref<4096x128xi32, #tpu.memory_space<vmem_shared>> -> memref<4096x128xi32, #tpu.memory_space<vmem_shared>>
    tpu.wait_indirect_dma semaphore(%arg10 : memref<!tpu.dma_semaphore, #tpu.memory_space<semaphore_mem>>) src(%dma_wait3A_184 : memref<4096x128xi32, #tpu.memory_space<vmem_shared>>) dst(%dma_wait3A_178 : memref<64x128xi32, #tpu.memory_space<vmem>>)
    %eq3A_185 = arith.constant 0 : i32
    %eq3A_186 = arith.cmpi eq, %arg0, %eq3A_185 : i32
    %convert_element_type3A_187 = arith.extui %eq3A_186 : i1 to i32
    %cond3A_188 = arith.constant 0 : i32
    %cond3A_189 = arith.cmpi ne, %convert_element_type3A_187, %cond3A_188 : i32
    scf.if %cond3A_189 {
      %add3A = arith.constant 192 : i32
      %add3A_283 = arith.addi %mul3A_107, %add3A : i32
      %run_scoped3A = arith.constant 3 : i32
      "tpu.region"() ({
        %run_scoped3A_284 = tpu.sem_alloc : memref<!tpu.dma_semaphore, #tpu.memory_space<semaphore_mem>>
        %dma_start3A_285 = arith.constant 0 : i32
        %dma_start3A_286 = arith.constant 0 : i32
        %dma_start3A_287 = tpu.memref_slice %arg8[%run_scoped3A, %dma_start3A_285, %dma_start3A_286] : memref<8x64x128xi32, #tpu.memory_space<vmem>> -> memref<1x64x128xi32, #tpu.memory_space<vmem>>
        %dma_start3A_288 = tpu.memref_squeeze %dma_start3A_287 : memref<1x64x128xi32, #tpu.memory_space<vmem>> -> memref<64x128xi32, #tpu.memory_space<vmem>>
        %dma_start3A_289 = arith.constant 0 : i32
        %dma_start3A_290 = tpu.memref_slice %arg5[%add3A_283, %dma_start3A_289] : memref<8192x128xi32, #tpu.memory_space<hbm>> -> memref<64x128xi32, #tpu.memory_space<hbm>>
        %dma_start3A_291 = arith.constant 0 : i32
        %dma_start3A_292 = tpu.memref_slice %arg5[%add3A_283, %dma_start3A_291] : memref<8192x128xi32, #tpu.memory_space<hbm>> -> memref<64x128xi32, #tpu.memory_space<hbm>>
        %dma_start3A_293 = arith.constant 0 : i32
        %dma_start3A_294 = arith.constant 0 : i32
        %dma_start3A_295 = tpu.memref_slice %arg8[%run_scoped3A, %dma_start3A_293, %dma_start3A_294] : memref<8x64x128xi32, #tpu.memory_space<vmem>> -> memref<1x64x128xi32, #tpu.memory_space<vmem>>
        %dma_start3A_296 = tpu.memref_squeeze %dma_start3A_295 : memref<1x64x128xi32, #tpu.memory_space<vmem>> -> memref<64x128xi32, #tpu.memory_space<vmem>>
        tpu.enqueue_dma source(%dma_start3A_296 : memref<64x128xi32, #tpu.memory_space<vmem>>) target(%dma_start3A_292 : memref<64x128xi32, #tpu.memory_space<hbm>>) target_semaphore(%run_scoped3A_284 : memref<!tpu.dma_semaphore, #tpu.memory_space<semaphore_mem>>)
        %dma_wait3A_297 = arith.constant 0 : i32
        %dma_wait3A_298 = arith.constant 0 : i32
        %dma_wait3A_299 = tpu.memref_slice %arg8[%run_scoped3A, %dma_wait3A_297, %dma_wait3A_298] : memref<8x64x128xi32, #tpu.memory_space<vmem>> -> memref<1x64x128xi32, #tpu.memory_space<vmem>>
        %dma_wait3A_300 = tpu.memref_squeeze %dma_wait3A_299 : memref<1x64x128xi32, #tpu.memory_space<vmem>> -> memref<64x128xi32, #tpu.memory_space<vmem>>
        %dma_wait3A_301 = arith.constant 0 : i32
        %dma_wait3A_302 = tpu.memref_slice %arg5[%add3A_283, %dma_wait3A_301] : memref<8192x128xi32, #tpu.memory_space<hbm>> -> memref<64x128xi32, #tpu.memory_space<hbm>>
        %dma_wait3A_303 = arith.constant 0 : i32
        %dma_wait3A_304 = tpu.memref_slice %arg5[%add3A_283, %dma_wait3A_303] : memref<8192x128xi32, #tpu.memory_space<hbm>> -> memref<64x128xi32, #tpu.memory_space<hbm>>
        %dma_wait3A_305 = arith.constant 0 : i32
        %dma_wait3A_306 = arith.constant 0 : i32
        %dma_wait3A_307 = tpu.memref_slice %arg8[%run_scoped3A, %dma_wait3A_305, %dma_wait3A_306] : memref<8x64x128xi32, #tpu.memory_space<vmem>> -> memref<1x64x128xi32, #tpu.memory_space<vmem>>
        %dma_wait3A_308 = tpu.memref_squeeze %dma_wait3A_307 : memref<1x64x128xi32, #tpu.memory_space<vmem>> -> memref<64x128xi32, #tpu.memory_space<vmem>>
        tpu.wait_dma2 semaphore(%run_scoped3A_284 : memref<!tpu.dma_semaphore, #tpu.memory_space<semaphore_mem>>) src(%dma_wait3A_308 : memref<64x128xi32, #tpu.memory_space<vmem>>) dst(%dma_wait3A_304 : memref<64x128xi32, #tpu.memory_space<hbm>>)
        tpu.yield
      }) : () -> ()
    } else {
    }
    %eq3A_190 = arith.constant 1 : i32
    %eq3A_191 = arith.cmpi eq, %arg0, %eq3A_190 : i32
    %convert_element_type3A_192 = arith.extui %eq3A_191 : i1 to i32
    %cond3A_193 = arith.constant 0 : i32
    %cond3A_194 = arith.cmpi ne, %convert_element_type3A_192, %cond3A_193 : i32
    scf.if %cond3A_194 {
      %add3A = arith.constant 192 : i32
      %add3A_283 = arith.addi %mul3A_107, %add3A : i32
      %run_scoped3A = arith.constant 3 : i32
      "tpu.region"() ({
        %run_scoped3A_284 = tpu.sem_alloc : memref<!tpu.dma_semaphore, #tpu.memory_space<semaphore_mem>>
        %dma_start3A_285 = arith.constant 0 : i32
        %dma_start3A_286 = arith.constant 0 : i32
        %dma_start3A_287 = tpu.memref_slice %arg8[%run_scoped3A, %dma_start3A_285, %dma_start3A_286] : memref<8x64x128xi32, #tpu.memory_space<vmem>> -> memref<1x64x128xi32, #tpu.memory_space<vmem>>
        %dma_start3A_288 = tpu.memref_squeeze %dma_start3A_287 : memref<1x64x128xi32, #tpu.memory_space<vmem>> -> memref<64x128xi32, #tpu.memory_space<vmem>>
        %dma_start3A_289 = arith.constant 0 : i32
        %dma_start3A_290 = tpu.memref_slice %arg6[%add3A_283, %dma_start3A_289] : memref<8192x128xi32, #tpu.memory_space<hbm>> -> memref<64x128xi32, #tpu.memory_space<hbm>>
        %dma_start3A_291 = arith.constant 0 : i32
        %dma_start3A_292 = tpu.memref_slice %arg6[%add3A_283, %dma_start3A_291] : memref<8192x128xi32, #tpu.memory_space<hbm>> -> memref<64x128xi32, #tpu.memory_space<hbm>>
        %dma_start3A_293 = arith.constant 0 : i32
        %dma_start3A_294 = arith.constant 0 : i32
        %dma_start3A_295 = tpu.memref_slice %arg8[%run_scoped3A, %dma_start3A_293, %dma_start3A_294] : memref<8x64x128xi32, #tpu.memory_space<vmem>> -> memref<1x64x128xi32, #tpu.memory_space<vmem>>
        %dma_start3A_296 = tpu.memref_squeeze %dma_start3A_295 : memref<1x64x128xi32, #tpu.memory_space<vmem>> -> memref<64x128xi32, #tpu.memory_space<vmem>>
        tpu.enqueue_dma source(%dma_start3A_296 : memref<64x128xi32, #tpu.memory_space<vmem>>) target(%dma_start3A_292 : memref<64x128xi32, #tpu.memory_space<hbm>>) target_semaphore(%run_scoped3A_284 : memref<!tpu.dma_semaphore, #tpu.memory_space<semaphore_mem>>)
        %dma_wait3A_297 = arith.constant 0 : i32
        %dma_wait3A_298 = arith.constant 0 : i32
        %dma_wait3A_299 = tpu.memref_slice %arg8[%run_scoped3A, %dma_wait3A_297, %dma_wait3A_298] : memref<8x64x128xi32, #tpu.memory_space<vmem>> -> memref<1x64x128xi32, #tpu.memory_space<vmem>>
        %dma_wait3A_300 = tpu.memref_squeeze %dma_wait3A_299 : memref<1x64x128xi32, #tpu.memory_space<vmem>> -> memref<64x128xi32, #tpu.memory_space<vmem>>
        %dma_wait3A_301 = arith.constant 0 : i32
        %dma_wait3A_302 = tpu.memref_slice %arg6[%add3A_283, %dma_wait3A_301] : memref<8192x128xi32, #tpu.memory_space<hbm>> -> memref<64x128xi32, #tpu.memory_space<hbm>>
        %dma_wait3A_303 = arith.constant 0 : i32
        %dma_wait3A_304 = tpu.memref_slice %arg6[%add3A_283, %dma_wait3A_303] : memref<8192x128xi32, #tpu.memory_space<hbm>> -> memref<64x128xi32, #tpu.memory_space<hbm>>
        %dma_wait3A_305 = arith.constant 0 : i32
        %dma_wait3A_306 = arith.constant 0 : i32
        %dma_wait3A_307 = tpu.memref_slice %arg8[%run_scoped3A, %dma_wait3A_305, %dma_wait3A_306] : memref<8x64x128xi32, #tpu.memory_space<vmem>> -> memref<1x64x128xi32, #tpu.memory_space<vmem>>
        %dma_wait3A_308 = tpu.memref_squeeze %dma_wait3A_307 : memref<1x64x128xi32, #tpu.memory_space<vmem>> -> memref<64x128xi32, #tpu.memory_space<vmem>>
        tpu.wait_dma2 semaphore(%run_scoped3A_284 : memref<!tpu.dma_semaphore, #tpu.memory_space<semaphore_mem>>) src(%dma_wait3A_308 : memref<64x128xi32, #tpu.memory_space<vmem>>) dst(%dma_wait3A_304 : memref<64x128xi32, #tpu.memory_space<hbm>>)
        tpu.yield
      }) : () -> ()
    } else {
    }
    %dma_wait3A_195 = arith.constant 4 : i32
    %dma_wait3A_196 = arith.constant 4 : i32
    %dma_wait3A_197 = arith.constant 0 : i32
    %dma_wait3A_198 = arith.constant 0 : i32
    %dma_wait3A_199 = tpu.memref_slice %arg8[%dma_wait3A_196, %dma_wait3A_197, %dma_wait3A_198] : memref<8x64x128xi32, #tpu.memory_space<vmem>> -> memref<1x64x128xi32, #tpu.memory_space<vmem>>
    %dma_wait3A_200 = tpu.memref_squeeze %dma_wait3A_199 : memref<1x64x128xi32, #tpu.memory_space<vmem>> -> memref<64x128xi32, #tpu.memory_space<vmem>>
    %dma_wait3A_201 = arith.constant 0 : i32
    %dma_wait3A_202 = tpu.memref_slice %arg7[%dma_wait3A_195, %dma_wait3A_201] : memref<8x64xi32, #tpu.memory_space<vmem>> -> memref<1x64xi32, #tpu.memory_space<vmem>>
    %dma_wait3A_203 = tpu.memref_squeeze %dma_wait3A_202 : memref<1x64xi32, #tpu.memory_space<vmem>> -> memref<64xi32, #tpu.memory_space<vmem>>
    %dma_wait3A_204 = arith.constant 0 : i32
    %dma_wait3A_205 = arith.constant 0 : i32
    %dma_wait3A_206 = tpu.memref_slice %arg9[%dma_wait3A_204, %dma_wait3A_205] : memref<4096x128xi32, #tpu.memory_space<vmem_shared>> -> memref<4096x128xi32, #tpu.memory_space<vmem_shared>>
    tpu.wait_indirect_dma semaphore(%arg10 : memref<!tpu.dma_semaphore, #tpu.memory_space<semaphore_mem>>) src(%dma_wait3A_206 : memref<4096x128xi32, #tpu.memory_space<vmem_shared>>) dst(%dma_wait3A_200 : memref<64x128xi32, #tpu.memory_space<vmem>>)
    %eq3A_207 = arith.constant 0 : i32
    %eq3A_208 = arith.cmpi eq, %arg0, %eq3A_207 : i32
    %convert_element_type3A_209 = arith.extui %eq3A_208 : i1 to i32
    %cond3A_210 = arith.constant 0 : i32
    %cond3A_211 = arith.cmpi ne, %convert_element_type3A_209, %cond3A_210 : i32
    scf.if %cond3A_211 {
      %add3A = arith.constant 256 : i32
      %add3A_283 = arith.addi %mul3A_107, %add3A : i32
      %run_scoped3A = arith.constant 4 : i32
      "tpu.region"() ({
        %run_scoped3A_284 = tpu.sem_alloc : memref<!tpu.dma_semaphore, #tpu.memory_space<semaphore_mem>>
        %dma_start3A_285 = arith.constant 0 : i32
        %dma_start3A_286 = arith.constant 0 : i32
        %dma_start3A_287 = tpu.memref_slice %arg8[%run_scoped3A, %dma_start3A_285, %dma_start3A_286] : memref<8x64x128xi32, #tpu.memory_space<vmem>> -> memref<1x64x128xi32, #tpu.memory_space<vmem>>
        %dma_start3A_288 = tpu.memref_squeeze %dma_start3A_287 : memref<1x64x128xi32, #tpu.memory_space<vmem>> -> memref<64x128xi32, #tpu.memory_space<vmem>>
        %dma_start3A_289 = arith.constant 0 : i32
        %dma_start3A_290 = tpu.memref_slice %arg5[%add3A_283, %dma_start3A_289] : memref<8192x128xi32, #tpu.memory_space<hbm>> -> memref<64x128xi32, #tpu.memory_space<hbm>>
        %dma_start3A_291 = arith.constant 0 : i32
        %dma_start3A_292 = tpu.memref_slice %arg5[%add3A_283, %dma_start3A_291] : memref<8192x128xi32, #tpu.memory_space<hbm>> -> memref<64x128xi32, #tpu.memory_space<hbm>>
        %dma_start3A_293 = arith.constant 0 : i32
        %dma_start3A_294 = arith.constant 0 : i32
        %dma_start3A_295 = tpu.memref_slice %arg8[%run_scoped3A, %dma_start3A_293, %dma_start3A_294] : memref<8x64x128xi32, #tpu.memory_space<vmem>> -> memref<1x64x128xi32, #tpu.memory_space<vmem>>
        %dma_start3A_296 = tpu.memref_squeeze %dma_start3A_295 : memref<1x64x128xi32, #tpu.memory_space<vmem>> -> memref<64x128xi32, #tpu.memory_space<vmem>>
        tpu.enqueue_dma source(%dma_start3A_296 : memref<64x128xi32, #tpu.memory_space<vmem>>) target(%dma_start3A_292 : memref<64x128xi32, #tpu.memory_space<hbm>>) target_semaphore(%run_scoped3A_284 : memref<!tpu.dma_semaphore, #tpu.memory_space<semaphore_mem>>)
        %dma_wait3A_297 = arith.constant 0 : i32
        %dma_wait3A_298 = arith.constant 0 : i32
        %dma_wait3A_299 = tpu.memref_slice %arg8[%run_scoped3A, %dma_wait3A_297, %dma_wait3A_298] : memref<8x64x128xi32, #tpu.memory_space<vmem>> -> memref<1x64x128xi32, #tpu.memory_space<vmem>>
        %dma_wait3A_300 = tpu.memref_squeeze %dma_wait3A_299 : memref<1x64x128xi32, #tpu.memory_space<vmem>> -> memref<64x128xi32, #tpu.memory_space<vmem>>
        %dma_wait3A_301 = arith.constant 0 : i32
        %dma_wait3A_302 = tpu.memref_slice %arg5[%add3A_283, %dma_wait3A_301] : memref<8192x128xi32, #tpu.memory_space<hbm>> -> memref<64x128xi32, #tpu.memory_space<hbm>>
        %dma_wait3A_303 = arith.constant 0 : i32
        %dma_wait3A_304 = tpu.memref_slice %arg5[%add3A_283, %dma_wait3A_303] : memref<8192x128xi32, #tpu.memory_space<hbm>> -> memref<64x128xi32, #tpu.memory_space<hbm>>
        %dma_wait3A_305 = arith.constant 0 : i32
        %dma_wait3A_306 = arith.constant 0 : i32
        %dma_wait3A_307 = tpu.memref_slice %arg8[%run_scoped3A, %dma_wait3A_305, %dma_wait3A_306] : memref<8x64x128xi32, #tpu.memory_space<vmem>> -> memref<1x64x128xi32, #tpu.memory_space<vmem>>
        %dma_wait3A_308 = tpu.memref_squeeze %dma_wait3A_307 : memref<1x64x128xi32, #tpu.memory_space<vmem>> -> memref<64x128xi32, #tpu.memory_space<vmem>>
        tpu.wait_dma2 semaphore(%run_scoped3A_284 : memref<!tpu.dma_semaphore, #tpu.memory_space<semaphore_mem>>) src(%dma_wait3A_308 : memref<64x128xi32, #tpu.memory_space<vmem>>) dst(%dma_wait3A_304 : memref<64x128xi32, #tpu.memory_space<hbm>>)
        tpu.yield
      }) : () -> ()
    } else {
    }
    %eq3A_212 = arith.constant 1 : i32
    %eq3A_213 = arith.cmpi eq, %arg0, %eq3A_212 : i32
    %convert_element_type3A_214 = arith.extui %eq3A_213 : i1 to i32
    %cond3A_215 = arith.constant 0 : i32
    %cond3A_216 = arith.cmpi ne, %convert_element_type3A_214, %cond3A_215 : i32
    scf.if %cond3A_216 {
      %add3A = arith.constant 256 : i32
      %add3A_283 = arith.addi %mul3A_107, %add3A : i32
      %run_scoped3A = arith.constant 4 : i32
      "tpu.region"() ({
        %run_scoped3A_284 = tpu.sem_alloc : memref<!tpu.dma_semaphore, #tpu.memory_space<semaphore_mem>>
        %dma_start3A_285 = arith.constant 0 : i32
        %dma_start3A_286 = arith.constant 0 : i32
        %dma_start3A_287 = tpu.memref_slice %arg8[%run_scoped3A, %dma_start3A_285, %dma_start3A_286] : memref<8x64x128xi32, #tpu.memory_space<vmem>> -> memref<1x64x128xi32, #tpu.memory_space<vmem>>
        %dma_start3A_288 = tpu.memref_squeeze %dma_start3A_287 : memref<1x64x128xi32, #tpu.memory_space<vmem>> -> memref<64x128xi32, #tpu.memory_space<vmem>>
        %dma_start3A_289 = arith.constant 0 : i32
        %dma_start3A_290 = tpu.memref_slice %arg6[%add3A_283, %dma_start3A_289] : memref<8192x128xi32, #tpu.memory_space<hbm>> -> memref<64x128xi32, #tpu.memory_space<hbm>>
        %dma_start3A_291 = arith.constant 0 : i32
        %dma_start3A_292 = tpu.memref_slice %arg6[%add3A_283, %dma_start3A_291] : memref<8192x128xi32, #tpu.memory_space<hbm>> -> memref<64x128xi32, #tpu.memory_space<hbm>>
        %dma_start3A_293 = arith.constant 0 : i32
        %dma_start3A_294 = arith.constant 0 : i32
        %dma_start3A_295 = tpu.memref_slice %arg8[%run_scoped3A, %dma_start3A_293, %dma_start3A_294] : memref<8x64x128xi32, #tpu.memory_space<vmem>> -> memref<1x64x128xi32, #tpu.memory_space<vmem>>
        %dma_start3A_296 = tpu.memref_squeeze %dma_start3A_295 : memref<1x64x128xi32, #tpu.memory_space<vmem>> -> memref<64x128xi32, #tpu.memory_space<vmem>>
        tpu.enqueue_dma source(%dma_start3A_296 : memref<64x128xi32, #tpu.memory_space<vmem>>) target(%dma_start3A_292 : memref<64x128xi32, #tpu.memory_space<hbm>>) target_semaphore(%run_scoped3A_284 : memref<!tpu.dma_semaphore, #tpu.memory_space<semaphore_mem>>)
        %dma_wait3A_297 = arith.constant 0 : i32
        %dma_wait3A_298 = arith.constant 0 : i32
        %dma_wait3A_299 = tpu.memref_slice %arg8[%run_scoped3A, %dma_wait3A_297, %dma_wait3A_298] : memref<8x64x128xi32, #tpu.memory_space<vmem>> -> memref<1x64x128xi32, #tpu.memory_space<vmem>>
        %dma_wait3A_300 = tpu.memref_squeeze %dma_wait3A_299 : memref<1x64x128xi32, #tpu.memory_space<vmem>> -> memref<64x128xi32, #tpu.memory_space<vmem>>
        %dma_wait3A_301 = arith.constant 0 : i32
        %dma_wait3A_302 = tpu.memref_slice %arg6[%add3A_283, %dma_wait3A_301] : memref<8192x128xi32, #tpu.memory_space<hbm>> -> memref<64x128xi32, #tpu.memory_space<hbm>>
        %dma_wait3A_303 = arith.constant 0 : i32
        %dma_wait3A_304 = tpu.memref_slice %arg6[%add3A_283, %dma_wait3A_303] : memref<8192x128xi32, #tpu.memory_space<hbm>> -> memref<64x128xi32, #tpu.memory_space<hbm>>
        %dma_wait3A_305 = arith.constant 0 : i32
        %dma_wait3A_306 = arith.constant 0 : i32
        %dma_wait3A_307 = tpu.memref_slice %arg8[%run_scoped3A, %dma_wait3A_305, %dma_wait3A_306] : memref<8x64x128xi32, #tpu.memory_space<vmem>> -> memref<1x64x128xi32, #tpu.memory_space<vmem>>
        %dma_wait3A_308 = tpu.memref_squeeze %dma_wait3A_307 : memref<1x64x128xi32, #tpu.memory_space<vmem>> -> memref<64x128xi32, #tpu.memory_space<vmem>>
        tpu.wait_dma2 semaphore(%run_scoped3A_284 : memref<!tpu.dma_semaphore, #tpu.memory_space<semaphore_mem>>) src(%dma_wait3A_308 : memref<64x128xi32, #tpu.memory_space<vmem>>) dst(%dma_wait3A_304 : memref<64x128xi32, #tpu.memory_space<hbm>>)
        tpu.yield
      }) : () -> ()
    } else {
    }
    %dma_wait3A_217 = arith.constant 5 : i32
    %dma_wait3A_218 = arith.constant 5 : i32
    %dma_wait3A_219 = arith.constant 0 : i32
    %dma_wait3A_220 = arith.constant 0 : i32
    %dma_wait3A_221 = tpu.memref_slice %arg8[%dma_wait3A_218, %dma_wait3A_219, %dma_wait3A_220] : memref<8x64x128xi32, #tpu.memory_space<vmem>> -> memref<1x64x128xi32, #tpu.memory_space<vmem>>
    %dma_wait3A_222 = tpu.memref_squeeze %dma_wait3A_221 : memref<1x64x128xi32, #tpu.memory_space<vmem>> -> memref<64x128xi32, #tpu.memory_space<vmem>>
    %dma_wait3A_223 = arith.constant 0 : i32
    %dma_wait3A_224 = tpu.memref_slice %arg7[%dma_wait3A_217, %dma_wait3A_223] : memref<8x64xi32, #tpu.memory_space<vmem>> -> memref<1x64xi32, #tpu.memory_space<vmem>>
    %dma_wait3A_225 = tpu.memref_squeeze %dma_wait3A_224 : memref<1x64xi32, #tpu.memory_space<vmem>> -> memref<64xi32, #tpu.memory_space<vmem>>
    %dma_wait3A_226 = arith.constant 0 : i32
    %dma_wait3A_227 = arith.constant 0 : i32
    %dma_wait3A_228 = tpu.memref_slice %arg9[%dma_wait3A_226, %dma_wait3A_227] : memref<4096x128xi32, #tpu.memory_space<vmem_shared>> -> memref<4096x128xi32, #tpu.memory_space<vmem_shared>>
    tpu.wait_indirect_dma semaphore(%arg10 : memref<!tpu.dma_semaphore, #tpu.memory_space<semaphore_mem>>) src(%dma_wait3A_228 : memref<4096x128xi32, #tpu.memory_space<vmem_shared>>) dst(%dma_wait3A_222 : memref<64x128xi32, #tpu.memory_space<vmem>>)
    %eq3A_229 = arith.constant 0 : i32
    %eq3A_230 = arith.cmpi eq, %arg0, %eq3A_229 : i32
    %convert_element_type3A_231 = arith.extui %eq3A_230 : i1 to i32
    %cond3A_232 = arith.constant 0 : i32
    %cond3A_233 = arith.cmpi ne, %convert_element_type3A_231, %cond3A_232 : i32
    scf.if %cond3A_233 {
      %add3A = arith.constant 320 : i32
      %add3A_283 = arith.addi %mul3A_107, %add3A : i32
      %run_scoped3A = arith.constant 5 : i32
      "tpu.region"() ({
        %run_scoped3A_284 = tpu.sem_alloc : memref<!tpu.dma_semaphore, #tpu.memory_space<semaphore_mem>>
        %dma_start3A_285 = arith.constant 0 : i32
        %dma_start3A_286 = arith.constant 0 : i32
        %dma_start3A_287 = tpu.memref_slice %arg8[%run_scoped3A, %dma_start3A_285, %dma_start3A_286] : memref<8x64x128xi32, #tpu.memory_space<vmem>> -> memref<1x64x128xi32, #tpu.memory_space<vmem>>
        %dma_start3A_288 = tpu.memref_squeeze %dma_start3A_287 : memref<1x64x128xi32, #tpu.memory_space<vmem>> -> memref<64x128xi32, #tpu.memory_space<vmem>>
        %dma_start3A_289 = arith.constant 0 : i32
        %dma_start3A_290 = tpu.memref_slice %arg5[%add3A_283, %dma_start3A_289] : memref<8192x128xi32, #tpu.memory_space<hbm>> -> memref<64x128xi32, #tpu.memory_space<hbm>>
        %dma_start3A_291 = arith.constant 0 : i32
        %dma_start3A_292 = tpu.memref_slice %arg5[%add3A_283, %dma_start3A_291] : memref<8192x128xi32, #tpu.memory_space<hbm>> -> memref<64x128xi32, #tpu.memory_space<hbm>>
        %dma_start3A_293 = arith.constant 0 : i32
        %dma_start3A_294 = arith.constant 0 : i32
        %dma_start3A_295 = tpu.memref_slice %arg8[%run_scoped3A, %dma_start3A_293, %dma_start3A_294] : memref<8x64x128xi32, #tpu.memory_space<vmem>> -> memref<1x64x128xi32, #tpu.memory_space<vmem>>
        %dma_start3A_296 = tpu.memref_squeeze %dma_start3A_295 : memref<1x64x128xi32, #tpu.memory_space<vmem>> -> memref<64x128xi32, #tpu.memory_space<vmem>>
        tpu.enqueue_dma source(%dma_start3A_296 : memref<64x128xi32, #tpu.memory_space<vmem>>) target(%dma_start3A_292 : memref<64x128xi32, #tpu.memory_space<hbm>>) target_semaphore(%run_scoped3A_284 : memref<!tpu.dma_semaphore, #tpu.memory_space<semaphore_mem>>)
        %dma_wait3A_297 = arith.constant 0 : i32
        %dma_wait3A_298 = arith.constant 0 : i32
        %dma_wait3A_299 = tpu.memref_slice %arg8[%run_scoped3A, %dma_wait3A_297, %dma_wait3A_298] : memref<8x64x128xi32, #tpu.memory_space<vmem>> -> memref<1x64x128xi32, #tpu.memory_space<vmem>>
        %dma_wait3A_300 = tpu.memref_squeeze %dma_wait3A_299 : memref<1x64x128xi32, #tpu.memory_space<vmem>> -> memref<64x128xi32, #tpu.memory_space<vmem>>
        %dma_wait3A_301 = arith.constant 0 : i32
        %dma_wait3A_302 = tpu.memref_slice %arg5[%add3A_283, %dma_wait3A_301] : memref<8192x128xi32, #tpu.memory_space<hbm>> -> memref<64x128xi32, #tpu.memory_space<hbm>>
        %dma_wait3A_303 = arith.constant 0 : i32
        %dma_wait3A_304 = tpu.memref_slice %arg5[%add3A_283, %dma_wait3A_303] : memref<8192x128xi32, #tpu.memory_space<hbm>> -> memref<64x128xi32, #tpu.memory_space<hbm>>
        %dma_wait3A_305 = arith.constant 0 : i32
        %dma_wait3A_306 = arith.constant 0 : i32
        %dma_wait3A_307 = tpu.memref_slice %arg8[%run_scoped3A, %dma_wait3A_305, %dma_wait3A_306] : memref<8x64x128xi32, #tpu.memory_space<vmem>> -> memref<1x64x128xi32, #tpu.memory_space<vmem>>
        %dma_wait3A_308 = tpu.memref_squeeze %dma_wait3A_307 : memref<1x64x128xi32, #tpu.memory_space<vmem>> -> memref<64x128xi32, #tpu.memory_space<vmem>>
        tpu.wait_dma2 semaphore(%run_scoped3A_284 : memref<!tpu.dma_semaphore, #tpu.memory_space<semaphore_mem>>) src(%dma_wait3A_308 : memref<64x128xi32, #tpu.memory_space<vmem>>) dst(%dma_wait3A_304 : memref<64x128xi32, #tpu.memory_space<hbm>>)
        tpu.yield
      }) : () -> ()
    } else {
    }
    %eq3A_234 = arith.constant 1 : i32
    %eq3A_235 = arith.cmpi eq, %arg0, %eq3A_234 : i32
    %convert_element_type3A_236 = arith.extui %eq3A_235 : i1 to i32
    %cond3A_237 = arith.constant 0 : i32
    %cond3A_238 = arith.cmpi ne, %convert_element_type3A_236, %cond3A_237 : i32
    scf.if %cond3A_238 {
      %add3A = arith.constant 320 : i32
      %add3A_283 = arith.addi %mul3A_107, %add3A : i32
      %run_scoped3A = arith.constant 5 : i32
      "tpu.region"() ({
        %run_scoped3A_284 = tpu.sem_alloc : memref<!tpu.dma_semaphore, #tpu.memory_space<semaphore_mem>>
        %dma_start3A_285 = arith.constant 0 : i32
        %dma_start3A_286 = arith.constant 0 : i32
        %dma_start3A_287 = tpu.memref_slice %arg8[%run_scoped3A, %dma_start3A_285, %dma_start3A_286] : memref<8x64x128xi32, #tpu.memory_space<vmem>> -> memref<1x64x128xi32, #tpu.memory_space<vmem>>
        %dma_start3A_288 = tpu.memref_squeeze %dma_start3A_287 : memref<1x64x128xi32, #tpu.memory_space<vmem>> -> memref<64x128xi32, #tpu.memory_space<vmem>>
        %dma_start3A_289 = arith.constant 0 : i32
        %dma_start3A_290 = tpu.memref_slice %arg6[%add3A_283, %dma_start3A_289] : memref<8192x128xi32, #tpu.memory_space<hbm>> -> memref<64x128xi32, #tpu.memory_space<hbm>>
        %dma_start3A_291 = arith.constant 0 : i32
        %dma_start3A_292 = tpu.memref_slice %arg6[%add3A_283, %dma_start3A_291] : memref<8192x128xi32, #tpu.memory_space<hbm>> -> memref<64x128xi32, #tpu.memory_space<hbm>>
        %dma_start3A_293 = arith.constant 0 : i32
        %dma_start3A_294 = arith.constant 0 : i32
        %dma_start3A_295 = tpu.memref_slice %arg8[%run_scoped3A, %dma_start3A_293, %dma_start3A_294] : memref<8x64x128xi32, #tpu.memory_space<vmem>> -> memref<1x64x128xi32, #tpu.memory_space<vmem>>
        %dma_start3A_296 = tpu.memref_squeeze %dma_start3A_295 : memref<1x64x128xi32, #tpu.memory_space<vmem>> -> memref<64x128xi32, #tpu.memory_space<vmem>>
        tpu.enqueue_dma source(%dma_start3A_296 : memref<64x128xi32, #tpu.memory_space<vmem>>) target(%dma_start3A_292 : memref<64x128xi32, #tpu.memory_space<hbm>>) target_semaphore(%run_scoped3A_284 : memref<!tpu.dma_semaphore, #tpu.memory_space<semaphore_mem>>)
        %dma_wait3A_297 = arith.constant 0 : i32
        %dma_wait3A_298 = arith.constant 0 : i32
        %dma_wait3A_299 = tpu.memref_slice %arg8[%run_scoped3A, %dma_wait3A_297, %dma_wait3A_298] : memref<8x64x128xi32, #tpu.memory_space<vmem>> -> memref<1x64x128xi32, #tpu.memory_space<vmem>>
        %dma_wait3A_300 = tpu.memref_squeeze %dma_wait3A_299 : memref<1x64x128xi32, #tpu.memory_space<vmem>> -> memref<64x128xi32, #tpu.memory_space<vmem>>
        %dma_wait3A_301 = arith.constant 0 : i32
        %dma_wait3A_302 = tpu.memref_slice %arg6[%add3A_283, %dma_wait3A_301] : memref<8192x128xi32, #tpu.memory_space<hbm>> -> memref<64x128xi32, #tpu.memory_space<hbm>>
        %dma_wait3A_303 = arith.constant 0 : i32
        %dma_wait3A_304 = tpu.memref_slice %arg6[%add3A_283, %dma_wait3A_303] : memref<8192x128xi32, #tpu.memory_space<hbm>> -> memref<64x128xi32, #tpu.memory_space<hbm>>
        %dma_wait3A_305 = arith.constant 0 : i32
        %dma_wait3A_306 = arith.constant 0 : i32
        %dma_wait3A_307 = tpu.memref_slice %arg8[%run_scoped3A, %dma_wait3A_305, %dma_wait3A_306] : memref<8x64x128xi32, #tpu.memory_space<vmem>> -> memref<1x64x128xi32, #tpu.memory_space<vmem>>
        %dma_wait3A_308 = tpu.memref_squeeze %dma_wait3A_307 : memref<1x64x128xi32, #tpu.memory_space<vmem>> -> memref<64x128xi32, #tpu.memory_space<vmem>>
        tpu.wait_dma2 semaphore(%run_scoped3A_284 : memref<!tpu.dma_semaphore, #tpu.memory_space<semaphore_mem>>) src(%dma_wait3A_308 : memref<64x128xi32, #tpu.memory_space<vmem>>) dst(%dma_wait3A_304 : memref<64x128xi32, #tpu.memory_space<hbm>>)
        tpu.yield
      }) : () -> ()
    } else {
    }
    %dma_wait3A_239 = arith.constant 6 : i32
    %dma_wait3A_240 = arith.constant 6 : i32
    %dma_wait3A_241 = arith.constant 0 : i32
    %dma_wait3A_242 = arith.constant 0 : i32
    %dma_wait3A_243 = tpu.memref_slice %arg8[%dma_wait3A_240, %dma_wait3A_241, %dma_wait3A_242] : memref<8x64x128xi32, #tpu.memory_space<vmem>> -> memref<1x64x128xi32, #tpu.memory_space<vmem>>
    %dma_wait3A_244 = tpu.memref_squeeze %dma_wait3A_243 : memref<1x64x128xi32, #tpu.memory_space<vmem>> -> memref<64x128xi32, #tpu.memory_space<vmem>>
    %dma_wait3A_245 = arith.constant 0 : i32
    %dma_wait3A_246 = tpu.memref_slice %arg7[%dma_wait3A_239, %dma_wait3A_245] : memref<8x64xi32, #tpu.memory_space<vmem>> -> memref<1x64xi32, #tpu.memory_space<vmem>>
    %dma_wait3A_247 = tpu.memref_squeeze %dma_wait3A_246 : memref<1x64xi32, #tpu.memory_space<vmem>> -> memref<64xi32, #tpu.memory_space<vmem>>
    %dma_wait3A_248 = arith.constant 0 : i32
    %dma_wait3A_249 = arith.constant 0 : i32
    %dma_wait3A_250 = tpu.memref_slice %arg9[%dma_wait3A_248, %dma_wait3A_249] : memref<4096x128xi32, #tpu.memory_space<vmem_shared>> -> memref<4096x128xi32, #tpu.memory_space<vmem_shared>>
    tpu.wait_indirect_dma semaphore(%arg10 : memref<!tpu.dma_semaphore, #tpu.memory_space<semaphore_mem>>) src(%dma_wait3A_250 : memref<4096x128xi32, #tpu.memory_space<vmem_shared>>) dst(%dma_wait3A_244 : memref<64x128xi32, #tpu.memory_space<vmem>>)
    %eq3A_251 = arith.constant 0 : i32
    %eq3A_252 = arith.cmpi eq, %arg0, %eq3A_251 : i32
    %convert_element_type3A_253 = arith.extui %eq3A_252 : i1 to i32
    %cond3A_254 = arith.constant 0 : i32
    %cond3A_255 = arith.cmpi ne, %convert_element_type3A_253, %cond3A_254 : i32
    scf.if %cond3A_255 {
      %add3A = arith.constant 384 : i32
      %add3A_283 = arith.addi %mul3A_107, %add3A : i32
      %run_scoped3A = arith.constant 6 : i32
      "tpu.region"() ({
        %run_scoped3A_284 = tpu.sem_alloc : memref<!tpu.dma_semaphore, #tpu.memory_space<semaphore_mem>>
        %dma_start3A_285 = arith.constant 0 : i32
        %dma_start3A_286 = arith.constant 0 : i32
        %dma_start3A_287 = tpu.memref_slice %arg8[%run_scoped3A, %dma_start3A_285, %dma_start3A_286] : memref<8x64x128xi32, #tpu.memory_space<vmem>> -> memref<1x64x128xi32, #tpu.memory_space<vmem>>
        %dma_start3A_288 = tpu.memref_squeeze %dma_start3A_287 : memref<1x64x128xi32, #tpu.memory_space<vmem>> -> memref<64x128xi32, #tpu.memory_space<vmem>>
        %dma_start3A_289 = arith.constant 0 : i32
        %dma_start3A_290 = tpu.memref_slice %arg5[%add3A_283, %dma_start3A_289] : memref<8192x128xi32, #tpu.memory_space<hbm>> -> memref<64x128xi32, #tpu.memory_space<hbm>>
        %dma_start3A_291 = arith.constant 0 : i32
        %dma_start3A_292 = tpu.memref_slice %arg5[%add3A_283, %dma_start3A_291] : memref<8192x128xi32, #tpu.memory_space<hbm>> -> memref<64x128xi32, #tpu.memory_space<hbm>>
        %dma_start3A_293 = arith.constant 0 : i32
        %dma_start3A_294 = arith.constant 0 : i32
        %dma_start3A_295 = tpu.memref_slice %arg8[%run_scoped3A, %dma_start3A_293, %dma_start3A_294] : memref<8x64x128xi32, #tpu.memory_space<vmem>> -> memref<1x64x128xi32, #tpu.memory_space<vmem>>
        %dma_start3A_296 = tpu.memref_squeeze %dma_start3A_295 : memref<1x64x128xi32, #tpu.memory_space<vmem>> -> memref<64x128xi32, #tpu.memory_space<vmem>>
        tpu.enqueue_dma source(%dma_start3A_296 : memref<64x128xi32, #tpu.memory_space<vmem>>) target(%dma_start3A_292 : memref<64x128xi32, #tpu.memory_space<hbm>>) target_semaphore(%run_scoped3A_284 : memref<!tpu.dma_semaphore, #tpu.memory_space<semaphore_mem>>)
        %dma_wait3A_297 = arith.constant 0 : i32
        %dma_wait3A_298 = arith.constant 0 : i32
        %dma_wait3A_299 = tpu.memref_slice %arg8[%run_scoped3A, %dma_wait3A_297, %dma_wait3A_298] : memref<8x64x128xi32, #tpu.memory_space<vmem>> -> memref<1x64x128xi32, #tpu.memory_space<vmem>>
        %dma_wait3A_300 = tpu.memref_squeeze %dma_wait3A_299 : memref<1x64x128xi32, #tpu.memory_space<vmem>> -> memref<64x128xi32, #tpu.memory_space<vmem>>
        %dma_wait3A_301 = arith.constant 0 : i32
        %dma_wait3A_302 = tpu.memref_slice %arg5[%add3A_283, %dma_wait3A_301] : memref<8192x128xi32, #tpu.memory_space<hbm>> -> memref<64x128xi32, #tpu.memory_space<hbm>>
        %dma_wait3A_303 = arith.constant 0 : i32
        %dma_wait3A_304 = tpu.memref_slice %arg5[%add3A_283, %dma_wait3A_303] : memref<8192x128xi32, #tpu.memory_space<hbm>> -> memref<64x128xi32, #tpu.memory_space<hbm>>
        %dma_wait3A_305 = arith.constant 0 : i32
        %dma_wait3A_306 = arith.constant 0 : i32
        %dma_wait3A_307 = tpu.memref_slice %arg8[%run_scoped3A, %dma_wait3A_305, %dma_wait3A_306] : memref<8x64x128xi32, #tpu.memory_space<vmem>> -> memref<1x64x128xi32, #tpu.memory_space<vmem>>
        %dma_wait3A_308 = tpu.memref_squeeze %dma_wait3A_307 : memref<1x64x128xi32, #tpu.memory_space<vmem>> -> memref<64x128xi32, #tpu.memory_space<vmem>>
        tpu.wait_dma2 semaphore(%run_scoped3A_284 : memref<!tpu.dma_semaphore, #tpu.memory_space<semaphore_mem>>) src(%dma_wait3A_308 : memref<64x128xi32, #tpu.memory_space<vmem>>) dst(%dma_wait3A_304 : memref<64x128xi32, #tpu.memory_space<hbm>>)
        tpu.yield
      }) : () -> ()
    } else {
    }
    %eq3A_256 = arith.constant 1 : i32
    %eq3A_257 = arith.cmpi eq, %arg0, %eq3A_256 : i32
    %convert_element_type3A_258 = arith.extui %eq3A_257 : i1 to i32
    %cond3A_259 = arith.constant 0 : i32
    %cond3A_260 = arith.cmpi ne, %convert_element_type3A_258, %cond3A_259 : i32
    scf.if %cond3A_260 {
      %add3A = arith.constant 384 : i32
      %add3A_283 = arith.addi %mul3A_107, %add3A : i32
      %run_scoped3A = arith.constant 6 : i32
      "tpu.region"() ({
        %run_scoped3A_284 = tpu.sem_alloc : memref<!tpu.dma_semaphore, #tpu.memory_space<semaphore_mem>>
        %dma_start3A_285 = arith.constant 0 : i32
        %dma_start3A_286 = arith.constant 0 : i32
        %dma_start3A_287 = tpu.memref_slice %arg8[%run_scoped3A, %dma_start3A_285, %dma_start3A_286] : memref<8x64x128xi32, #tpu.memory_space<vmem>> -> memref<1x64x128xi32, #tpu.memory_space<vmem>>
        %dma_start3A_288 = tpu.memref_squeeze %dma_start3A_287 : memref<1x64x128xi32, #tpu.memory_space<vmem>> -> memref<64x128xi32, #tpu.memory_space<vmem>>
        %dma_start3A_289 = arith.constant 0 : i32
        %dma_start3A_290 = tpu.memref_slice %arg6[%add3A_283, %dma_start3A_289] : memref<8192x128xi32, #tpu.memory_space<hbm>> -> memref<64x128xi32, #tpu.memory_space<hbm>>
        %dma_start3A_291 = arith.constant 0 : i32
        %dma_start3A_292 = tpu.memref_slice %arg6[%add3A_283, %dma_start3A_291] : memref<8192x128xi32, #tpu.memory_space<hbm>> -> memref<64x128xi32, #tpu.memory_space<hbm>>
        %dma_start3A_293 = arith.constant 0 : i32
        %dma_start3A_294 = arith.constant 0 : i32
        %dma_start3A_295 = tpu.memref_slice %arg8[%run_scoped3A, %dma_start3A_293, %dma_start3A_294] : memref<8x64x128xi32, #tpu.memory_space<vmem>> -> memref<1x64x128xi32, #tpu.memory_space<vmem>>
        %dma_start3A_296 = tpu.memref_squeeze %dma_start3A_295 : memref<1x64x128xi32, #tpu.memory_space<vmem>> -> memref<64x128xi32, #tpu.memory_space<vmem>>
        tpu.enqueue_dma source(%dma_start3A_296 : memref<64x128xi32, #tpu.memory_space<vmem>>) target(%dma_start3A_292 : memref<64x128xi32, #tpu.memory_space<hbm>>) target_semaphore(%run_scoped3A_284 : memref<!tpu.dma_semaphore, #tpu.memory_space<semaphore_mem>>)
        %dma_wait3A_297 = arith.constant 0 : i32
        %dma_wait3A_298 = arith.constant 0 : i32
        %dma_wait3A_299 = tpu.memref_slice %arg8[%run_scoped3A, %dma_wait3A_297, %dma_wait3A_298] : memref<8x64x128xi32, #tpu.memory_space<vmem>> -> memref<1x64x128xi32, #tpu.memory_space<vmem>>
        %dma_wait3A_300 = tpu.memref_squeeze %dma_wait3A_299 : memref<1x64x128xi32, #tpu.memory_space<vmem>> -> memref<64x128xi32, #tpu.memory_space<vmem>>
        %dma_wait3A_301 = arith.constant 0 : i32
        %dma_wait3A_302 = tpu.memref_slice %arg6[%add3A_283, %dma_wait3A_301] : memref<8192x128xi32, #tpu.memory_space<hbm>> -> memref<64x128xi32, #tpu.memory_space<hbm>>
        %dma_wait3A_303 = arith.constant 0 : i32
        %dma_wait3A_304 = tpu.memref_slice %arg6[%add3A_283, %dma_wait3A_303] : memref<8192x128xi32, #tpu.memory_space<hbm>> -> memref<64x128xi32, #tpu.memory_space<hbm>>
        %dma_wait3A_305 = arith.constant 0 : i32
        %dma_wait3A_306 = arith.constant 0 : i32
        %dma_wait3A_307 = tpu.memref_slice %arg8[%run_scoped3A, %dma_wait3A_305, %dma_wait3A_306] : memref<8x64x128xi32, #tpu.memory_space<vmem>> -> memref<1x64x128xi32, #tpu.memory_space<vmem>>
        %dma_wait3A_308 = tpu.memref_squeeze %dma_wait3A_307 : memref<1x64x128xi32, #tpu.memory_space<vmem>> -> memref<64x128xi32, #tpu.memory_space<vmem>>
        tpu.wait_dma2 semaphore(%run_scoped3A_284 : memref<!tpu.dma_semaphore, #tpu.memory_space<semaphore_mem>>) src(%dma_wait3A_308 : memref<64x128xi32, #tpu.memory_space<vmem>>) dst(%dma_wait3A_304 : memref<64x128xi32, #tpu.memory_space<hbm>>)
        tpu.yield
      }) : () -> ()
    } else {
    }
    %dma_wait3A_261 = arith.constant 7 : i32
    %dma_wait3A_262 = arith.constant 7 : i32
    %dma_wait3A_263 = arith.constant 0 : i32
    %dma_wait3A_264 = arith.constant 0 : i32
    %dma_wait3A_265 = tpu.memref_slice %arg8[%dma_wait3A_262, %dma_wait3A_263, %dma_wait3A_264] : memref<8x64x128xi32, #tpu.memory_space<vmem>> -> memref<1x64x128xi32, #tpu.memory_space<vmem>>
    %dma_wait3A_266 = tpu.memref_squeeze %dma_wait3A_265 : memref<1x64x128xi32, #tpu.memory_space<vmem>> -> memref<64x128xi32, #tpu.memory_space<vmem>>
    %dma_wait3A_267 = arith.constant 0 : i32
    %dma_wait3A_268 = tpu.memref_slice %arg7[%dma_wait3A_261, %dma_wait3A_267] : memref<8x64xi32, #tpu.memory_space<vmem>> -> memref<1x64xi32, #tpu.memory_space<vmem>>
    %dma_wait3A_269 = tpu.memref_squeeze %dma_wait3A_268 : memref<1x64xi32, #tpu.memory_space<vmem>> -> memref<64xi32, #tpu.memory_space<vmem>>
    %dma_wait3A_270 = arith.constant 0 : i32
    %dma_wait3A_271 = arith.constant 0 : i32
    %dma_wait3A_272 = tpu.memref_slice %arg9[%dma_wait3A_270, %dma_wait3A_271] : memref<4096x128xi32, #tpu.memory_space<vmem_shared>> -> memref<4096x128xi32, #tpu.memory_space<vmem_shared>>
    tpu.wait_indirect_dma semaphore(%arg10 : memref<!tpu.dma_semaphore, #tpu.memory_space<semaphore_mem>>) src(%dma_wait3A_272 : memref<4096x128xi32, #tpu.memory_space<vmem_shared>>) dst(%dma_wait3A_266 : memref<64x128xi32, #tpu.memory_space<vmem>>)
    %eq3A_273 = arith.constant 0 : i32
    %eq3A_274 = arith.cmpi eq, %arg0, %eq3A_273 : i32
    %convert_element_type3A_275 = arith.extui %eq3A_274 : i1 to i32
    %cond3A_276 = arith.constant 0 : i32
    %cond3A_277 = arith.cmpi ne, %convert_element_type3A_275, %cond3A_276 : i32
    scf.if %cond3A_277 {
      %add3A = arith.constant 448 : i32
      %add3A_283 = arith.addi %mul3A_107, %add3A : i32
      %run_scoped3A = arith.constant 7 : i32
      "tpu.region"() ({
        %run_scoped3A_284 = tpu.sem_alloc : memref<!tpu.dma_semaphore, #tpu.memory_space<semaphore_mem>>
        %dma_start3A_285 = arith.constant 0 : i32
        %dma_start3A_286 = arith.constant 0 : i32
        %dma_start3A_287 = tpu.memref_slice %arg8[%run_scoped3A, %dma_start3A_285, %dma_start3A_286] : memref<8x64x128xi32, #tpu.memory_space<vmem>> -> memref<1x64x128xi32, #tpu.memory_space<vmem>>
        %dma_start3A_288 = tpu.memref_squeeze %dma_start3A_287 : memref<1x64x128xi32, #tpu.memory_space<vmem>> -> memref<64x128xi32, #tpu.memory_space<vmem>>
        %dma_start3A_289 = arith.constant 0 : i32
        %dma_start3A_290 = tpu.memref_slice %arg5[%add3A_283, %dma_start3A_289] : memref<8192x128xi32, #tpu.memory_space<hbm>> -> memref<64x128xi32, #tpu.memory_space<hbm>>
        %dma_start3A_291 = arith.constant 0 : i32
        %dma_start3A_292 = tpu.memref_slice %arg5[%add3A_283, %dma_start3A_291] : memref<8192x128xi32, #tpu.memory_space<hbm>> -> memref<64x128xi32, #tpu.memory_space<hbm>>
        %dma_start3A_293 = arith.constant 0 : i32
        %dma_start3A_294 = arith.constant 0 : i32
        %dma_start3A_295 = tpu.memref_slice %arg8[%run_scoped3A, %dma_start3A_293, %dma_start3A_294] : memref<8x64x128xi32, #tpu.memory_space<vmem>> -> memref<1x64x128xi32, #tpu.memory_space<vmem>>
        %dma_start3A_296 = tpu.memref_squeeze %dma_start3A_295 : memref<1x64x128xi32, #tpu.memory_space<vmem>> -> memref<64x128xi32, #tpu.memory_space<vmem>>
        tpu.enqueue_dma source(%dma_start3A_296 : memref<64x128xi32, #tpu.memory_space<vmem>>) target(%dma_start3A_292 : memref<64x128xi32, #tpu.memory_space<hbm>>) target_semaphore(%run_scoped3A_284 : memref<!tpu.dma_semaphore, #tpu.memory_space<semaphore_mem>>)
        %dma_wait3A_297 = arith.constant 0 : i32
        %dma_wait3A_298 = arith.constant 0 : i32
        %dma_wait3A_299 = tpu.memref_slice %arg8[%run_scoped3A, %dma_wait3A_297, %dma_wait3A_298] : memref<8x64x128xi32, #tpu.memory_space<vmem>> -> memref<1x64x128xi32, #tpu.memory_space<vmem>>
        %dma_wait3A_300 = tpu.memref_squeeze %dma_wait3A_299 : memref<1x64x128xi32, #tpu.memory_space<vmem>> -> memref<64x128xi32, #tpu.memory_space<vmem>>
        %dma_wait3A_301 = arith.constant 0 : i32
        %dma_wait3A_302 = tpu.memref_slice %arg5[%add3A_283, %dma_wait3A_301] : memref<8192x128xi32, #tpu.memory_space<hbm>> -> memref<64x128xi32, #tpu.memory_space<hbm>>
        %dma_wait3A_303 = arith.constant 0 : i32
        %dma_wait3A_304 = tpu.memref_slice %arg5[%add3A_283, %dma_wait3A_303] : memref<8192x128xi32, #tpu.memory_space<hbm>> -> memref<64x128xi32, #tpu.memory_space<hbm>>
        %dma_wait3A_305 = arith.constant 0 : i32
        %dma_wait3A_306 = arith.constant 0 : i32
        %dma_wait3A_307 = tpu.memref_slice %arg8[%run_scoped3A, %dma_wait3A_305, %dma_wait3A_306] : memref<8x64x128xi32, #tpu.memory_space<vmem>> -> memref<1x64x128xi32, #tpu.memory_space<vmem>>
        %dma_wait3A_308 = tpu.memref_squeeze %dma_wait3A_307 : memref<1x64x128xi32, #tpu.memory_space<vmem>> -> memref<64x128xi32, #tpu.memory_space<vmem>>
        tpu.wait_dma2 semaphore(%run_scoped3A_284 : memref<!tpu.dma_semaphore, #tpu.memory_space<semaphore_mem>>) src(%dma_wait3A_308 : memref<64x128xi32, #tpu.memory_space<vmem>>) dst(%dma_wait3A_304 : memref<64x128xi32, #tpu.memory_space<hbm>>)
        tpu.yield
      }) : () -> ()
    } else {
    }
    %eq3A_278 = arith.constant 1 : i32
    %eq3A_279 = arith.cmpi eq, %arg0, %eq3A_278 : i32
    %convert_element_type3A_280 = arith.extui %eq3A_279 : i1 to i32
    %cond3A_281 = arith.constant 0 : i32
    %cond3A_282 = arith.cmpi ne, %convert_element_type3A_280, %cond3A_281 : i32
    scf.if %cond3A_282 {
      %add3A = arith.constant 448 : i32
      %add3A_283 = arith.addi %mul3A_107, %add3A : i32
      %run_scoped3A = arith.constant 7 : i32
      "tpu.region"() ({
        %run_scoped3A_284 = tpu.sem_alloc : memref<!tpu.dma_semaphore, #tpu.memory_space<semaphore_mem>>
        %dma_start3A_285 = arith.constant 0 : i32
        %dma_start3A_286 = arith.constant 0 : i32
        %dma_start3A_287 = tpu.memref_slice %arg8[%run_scoped3A, %dma_start3A_285, %dma_start3A_286] : memref<8x64x128xi32, #tpu.memory_space<vmem>> -> memref<1x64x128xi32, #tpu.memory_space<vmem>>
        %dma_start3A_288 = tpu.memref_squeeze %dma_start3A_287 : memref<1x64x128xi32, #tpu.memory_space<vmem>> -> memref<64x128xi32, #tpu.memory_space<vmem>>
        %dma_start3A_289 = arith.constant 0 : i32
        %dma_start3A_290 = tpu.memref_slice %arg6[%add3A_283, %dma_start3A_289] : memref<8192x128xi32, #tpu.memory_space<hbm>> -> memref<64x128xi32, #tpu.memory_space<hbm>>
        %dma_start3A_291 = arith.constant 0 : i32
        %dma_start3A_292 = tpu.memref_slice %arg6[%add3A_283, %dma_start3A_291] : memref<8192x128xi32, #tpu.memory_space<hbm>> -> memref<64x128xi32, #tpu.memory_space<hbm>>
        %dma_start3A_293 = arith.constant 0 : i32
        %dma_start3A_294 = arith.constant 0 : i32
        %dma_start3A_295 = tpu.memref_slice %arg8[%run_scoped3A, %dma_start3A_293, %dma_start3A_294] : memref<8x64x128xi32, #tpu.memory_space<vmem>> -> memref<1x64x128xi32, #tpu.memory_space<vmem>>
        %dma_start3A_296 = tpu.memref_squeeze %dma_start3A_295 : memref<1x64x128xi32, #tpu.memory_space<vmem>> -> memref<64x128xi32, #tpu.memory_space<vmem>>
        tpu.enqueue_dma source(%dma_start3A_296 : memref<64x128xi32, #tpu.memory_space<vmem>>) target(%dma_start3A_292 : memref<64x128xi32, #tpu.memory_space<hbm>>) target_semaphore(%run_scoped3A_284 : memref<!tpu.dma_semaphore, #tpu.memory_space<semaphore_mem>>)
        %dma_wait3A_297 = arith.constant 0 : i32
        %dma_wait3A_298 = arith.constant 0 : i32
        %dma_wait3A_299 = tpu.memref_slice %arg8[%run_scoped3A, %dma_wait3A_297, %dma_wait3A_298] : memref<8x64x128xi32, #tpu.memory_space<vmem>> -> memref<1x64x128xi32, #tpu.memory_space<vmem>>
        %dma_wait3A_300 = tpu.memref_squeeze %dma_wait3A_299 : memref<1x64x128xi32, #tpu.memory_space<vmem>> -> memref<64x128xi32, #tpu.memory_space<vmem>>
        %dma_wait3A_301 = arith.constant 0 : i32
        %dma_wait3A_302 = tpu.memref_slice %arg6[%add3A_283, %dma_wait3A_301] : memref<8192x128xi32, #tpu.memory_space<hbm>> -> memref<64x128xi32, #tpu.memory_space<hbm>>
        %dma_wait3A_303 = arith.constant 0 : i32
        %dma_wait3A_304 = tpu.memref_slice %arg6[%add3A_283, %dma_wait3A_303] : memref<8192x128xi32, #tpu.memory_space<hbm>> -> memref<64x128xi32, #tpu.memory_space<hbm>>
        %dma_wait3A_305 = arith.constant 0 : i32
        %dma_wait3A_306 = arith.constant 0 : i32
        %dma_wait3A_307 = tpu.memref_slice %arg8[%run_scoped3A, %dma_wait3A_305, %dma_wait3A_306] : memref<8x64x128xi32, #tpu.memory_space<vmem>> -> memref<1x64x128xi32, #tpu.memory_space<vmem>>
        %dma_wait3A_308 = tpu.memref_squeeze %dma_wait3A_307 : memref<1x64x128xi32, #tpu.memory_space<vmem>> -> memref<64x128xi32, #tpu.memory_space<vmem>>
        tpu.wait_dma2 semaphore(%run_scoped3A_284 : memref<!tpu.dma_semaphore, #tpu.memory_space<semaphore_mem>>) src(%dma_wait3A_308 : memref<64x128xi32, #tpu.memory_space<vmem>>) dst(%dma_wait3A_304 : memref<64x128xi32, #tpu.memory_space<hbm>>)
        tpu.yield
      }) : () -> ()
    } else {
    }
    return
  }
}

module attributes {stable_mosaic.version = 14 : i64} {
  func.func @vqvae_encoder(%arg0: memref<1024x128xf32, #tpu.memory_space<vmem>>, %arg1: memref<128x256xbf16, #tpu.memory_space<vmem>>, %arg2: memref<1x256xf32, #tpu.memory_space<vmem>>, %arg3: memref<256x2048xbf16, #tpu.memory_space<vmem>>, %arg4: memref<1x2048xf32, #tpu.memory_space<vmem>>, %arg5: memref<2048x2048xbf16, #tpu.memory_space<vmem>>, %arg6: memref<1x2048xf32, #tpu.memory_space<vmem>>, %arg7: memref<2048x2048xbf16, #tpu.memory_space<vmem>>, %arg8: memref<1x2048xf32, #tpu.memory_space<vmem>>, %arg9: memref<1024x2048xf32, #tpu.memory_space<vmem>>) attributes {dimension_semantics = [], scalar_prefetch = 0 : i64, scratch_operands = 0 : i64, tpu.core_type = #tpu.core_type<tc>} {
    %get3A = arith.constant 0 : index
    %get3A_0 = arith.constant 0 : index
    %get3A_1 = vector.load %arg0[%get3A, %get3A_0] : memref<1024x128xf32, #tpu.memory_space<vmem>>, vector<1024x128xf32>
    %convert_element_type3A = arith.truncf %get3A_1 : vector<1024x128xf32> to vector<1024x128xbf16>
    %get3A_2 = arith.constant 0 : index
    %get3A_3 = arith.constant 0 : index
    %get3A_4 = vector.load %arg1[%get3A_2, %get3A_3] : memref<128x256xbf16, #tpu.memory_space<vmem>>, vector<128x256xbf16>
    %dot_general3A = arith.constant dense<0.000000e+00> : vector<1024x256xf32>
    %dot_general3A_5 = tpu.matmul %convert_element_type3A, %get3A_4, %dot_general3A {dimension_numbers = #tpu.dot_dimension_numbers<[1], [0], [0], [1], [0, 0, 1, 1], [], []>, transpose_lhs_hint = false} : vector<1024x128xbf16>, vector<128x256xbf16>, vector<1024x256xf32> -> vector<1024x256xf32>
    %get3A_6 = arith.constant 0 : index
    %get3A_7 = arith.constant 0 : index
    %get3A_8 = vector.load %arg2[%get3A_6, %get3A_7] : memref<1x256xf32, #tpu.memory_space<vmem>>, vector<1x256xf32>
    %add3A = vector.broadcast %get3A_8 : vector<1x256xf32> to vector<1024x256xf32>
    %add3A_9 = arith.addf %dot_general3A_5, %add3A : vector<1024x256xf32>
    %ge3A = arith.constant 0.000000e+00 : f32
    %ge3A_10 = vector.broadcast %ge3A : f32 to vector<1024x256xf32>
    %ge3A_11 = arith.cmpf oge, %add3A_9, %ge3A_10 : vector<1024x256xf32>
    %mul3A = arith.constant 2.000000e-01 : f32
    %mul3A_12 = vector.broadcast %mul3A : f32 to vector<1024x256xf32>
    %mul3A_13 = arith.mulf %mul3A_12, %add3A_9 : vector<1024x256xf32>
    %select_n3A = arith.select %ge3A_11, %add3A_9, %mul3A_13 : vector<1024x256xi1>, vector<1024x256xf32>
    %convert_element_type3A_14 = arith.truncf %select_n3A : vector<1024x256xf32> to vector<1024x256xbf16>
    %get3A_15 = arith.constant 0 : index
    %get3A_16 = arith.constant 0 : index
    %get3A_17 = vector.load %arg3[%get3A_15, %get3A_16] : memref<256x2048xbf16, #tpu.memory_space<vmem>>, vector<256x2048xbf16>
    %dot_general3A_18 = arith.constant dense<0.000000e+00> : vector<1024x2048xf32>
    %dot_general3A_19 = tpu.matmul %convert_element_type3A_14, %get3A_17, %dot_general3A_18 {dimension_numbers = #tpu.dot_dimension_numbers<[1], [0], [0], [1], [0, 0, 1, 1], [], []>, transpose_lhs_hint = false} : vector<1024x256xbf16>, vector<256x2048xbf16>, vector<1024x2048xf32> -> vector<1024x2048xf32>
    %get3A_20 = arith.constant 0 : index
    %get3A_21 = arith.constant 0 : index
    %get3A_22 = vector.load %arg4[%get3A_20, %get3A_21] : memref<1x2048xf32, #tpu.memory_space<vmem>>, vector<1x2048xf32>
    %add3A_23 = vector.broadcast %get3A_22 : vector<1x2048xf32> to vector<1024x2048xf32>
    %add3A_24 = arith.addf %dot_general3A_19, %add3A_23 : vector<1024x2048xf32>
    %ge3A_25 = arith.constant 0.000000e+00 : f32
    %ge3A_26 = vector.broadcast %ge3A_25 : f32 to vector<1024x2048xf32>
    %ge3A_27 = arith.cmpf oge, %add3A_24, %ge3A_26 : vector<1024x2048xf32>
    %mul3A_28 = arith.constant 2.000000e-01 : f32
    %mul3A_29 = vector.broadcast %mul3A_28 : f32 to vector<1024x2048xf32>
    %mul3A_30 = arith.mulf %mul3A_29, %add3A_24 : vector<1024x2048xf32>
    %select_n3A_31 = arith.select %ge3A_27, %add3A_24, %mul3A_30 : vector<1024x2048xi1>, vector<1024x2048xf32>
    %convert_element_type3A_32 = arith.truncf %select_n3A_31 : vector<1024x2048xf32> to vector<1024x2048xbf16>
    %get3A_33 = arith.constant 0 : index
    %get3A_34 = arith.constant 0 : index
    %get3A_35 = vector.load %arg5[%get3A_33, %get3A_34] : memref<2048x2048xbf16, #tpu.memory_space<vmem>>, vector<2048x2048xbf16>
    %dot_general3A_36 = arith.constant dense<0.000000e+00> : vector<1024x2048xf32>
    %dot_general3A_37 = tpu.matmul %convert_element_type3A_32, %get3A_35, %dot_general3A_36 {dimension_numbers = #tpu.dot_dimension_numbers<[1], [0], [0], [1], [0, 0, 1, 1], [], []>, transpose_lhs_hint = false} : vector<1024x2048xbf16>, vector<2048x2048xbf16>, vector<1024x2048xf32> -> vector<1024x2048xf32>
    %get3A_38 = arith.constant 0 : index
    %get3A_39 = arith.constant 0 : index
    %get3A_40 = vector.load %arg6[%get3A_38, %get3A_39] : memref<1x2048xf32, #tpu.memory_space<vmem>>, vector<1x2048xf32>
    %add3A_41 = vector.broadcast %get3A_40 : vector<1x2048xf32> to vector<1024x2048xf32>
    %add3A_42 = arith.addf %dot_general3A_37, %add3A_41 : vector<1024x2048xf32>
    %ge3A_43 = arith.constant 0.000000e+00 : f32
    %ge3A_44 = vector.broadcast %ge3A_43 : f32 to vector<1024x2048xf32>
    %ge3A_45 = arith.cmpf oge, %add3A_42, %ge3A_44 : vector<1024x2048xf32>
    %mul3A_46 = arith.constant 2.000000e-01 : f32
    %mul3A_47 = vector.broadcast %mul3A_46 : f32 to vector<1024x2048xf32>
    %mul3A_48 = arith.mulf %mul3A_47, %add3A_42 : vector<1024x2048xf32>
    %select_n3A_49 = arith.select %ge3A_45, %add3A_42, %mul3A_48 : vector<1024x2048xi1>, vector<1024x2048xf32>
    %convert_element_type3A_50 = arith.truncf %select_n3A_49 : vector<1024x2048xf32> to vector<1024x2048xbf16>
    %get3A_51 = arith.constant 0 : index
    %get3A_52 = arith.constant 0 : index
    %get3A_53 = vector.load %arg7[%get3A_51, %get3A_52] : memref<2048x2048xbf16, #tpu.memory_space<vmem>>, vector<2048x2048xbf16>
    %dot_general3A_54 = arith.constant dense<0.000000e+00> : vector<1024x2048xf32>
    %dot_general3A_55 = tpu.matmul %convert_element_type3A_50, %get3A_53, %dot_general3A_54 {dimension_numbers = #tpu.dot_dimension_numbers<[1], [0], [0], [1], [0, 0, 1, 1], [], []>, transpose_lhs_hint = false} : vector<1024x2048xbf16>, vector<2048x2048xbf16>, vector<1024x2048xf32> -> vector<1024x2048xf32>
    %get3A_56 = arith.constant 0 : index
    %get3A_57 = arith.constant 0 : index
    %get3A_58 = vector.load %arg8[%get3A_56, %get3A_57] : memref<1x2048xf32, #tpu.memory_space<vmem>>, vector<1x2048xf32>
    %add3A_59 = vector.broadcast %get3A_58 : vector<1x2048xf32> to vector<1024x2048xf32>
    %add3A_60 = arith.addf %dot_general3A_55, %add3A_59 : vector<1024x2048xf32>
    %ge3A_61 = arith.constant 0.000000e+00 : f32
    %ge3A_62 = vector.broadcast %ge3A_61 : f32 to vector<1024x2048xf32>
    %ge3A_63 = arith.cmpf oge, %add3A_60, %ge3A_62 : vector<1024x2048xf32>
    %mul3A_64 = arith.constant 2.000000e-01 : f32
    %mul3A_65 = vector.broadcast %mul3A_64 : f32 to vector<1024x2048xf32>
    %mul3A_66 = arith.mulf %mul3A_65, %add3A_60 : vector<1024x2048xf32>
    %select_n3A_67 = arith.select %ge3A_63, %add3A_60, %mul3A_66 : vector<1024x2048xi1>, vector<1024x2048xf32>
    %swap3A = arith.constant 0 : index
    %swap3A_68 = arith.constant 0 : index
    %swap3A_69 = vector.load %arg9[%swap3A, %swap3A_68] : memref<1024x2048xf32, #tpu.memory_space<vmem>>, vector<1024x2048xf32>
    tpu.vector_store %arg9[%swap3A, %swap3A_68], %select_n3A_67 {strides = array<i32>} : memref<1024x2048xf32, #tpu.memory_space<vmem>>, vector<1024x2048xf32>,
    return
  }
}

module attributes {stable_mosaic.version = 14 : i64} {
  func.func @vqvae_dist_argmin(%arg0: i32, %arg1: memref<512x256xf32, #tpu.memory_space<vmem>>, %arg2: memref<8192x256xbf16, #tpu.memory_space<vmem>>, %arg3: memref<512x1xf32, #tpu.memory_space<vmem>>, %arg4: memref<8x8192xf32, #tpu.memory_space<vmem>>, %arg5: memref<512x1xi32, #tpu.memory_space<vmem>>) attributes {dimension_semantics = [#tpu.dimension_semantics<arbitrary>], iteration_bounds = array<i64: 16>, scalar_prefetch = 0 : i64, scratch_operands = 0 : i64, tpu.core_type = #tpu.core_type<tc>, window_params = [{transform_indices = @transform_0, window_bounds = array<i64: 512, 256>}, {pipeline_mode = #tpu.pipeline_mode<synchronous>, transform_indices = @transform_1, window_bounds = array<i64: 8192, 256>}, {transform_indices = @transform_2, window_bounds = array<i64: 512, 1>}, {pipeline_mode = #tpu.pipeline_mode<synchronous>, transform_indices = @transform_3, window_bounds = array<i64: 8, 8192>}, {transform_indices = @transform_4, window_bounds = array<i64: 512, 1>}]} {
    %get3A = arith.constant 0 : index
    %get3A_0 = arith.constant 0 : index
    %get3A_1 = vector.load %arg1[%get3A, %get3A_0] : memref<512x256xf32, #tpu.memory_space<vmem>>, vector<512x256xf32>
    %convert_element_type3A = arith.truncf %get3A_1 : vector<512x256xf32> to vector<512x256xbf16>
    %get3A_2 = arith.constant 0 : index
    %get3A_3 = arith.constant 0 : index
    %get3A_4 = vector.load %arg3[%get3A_2, %get3A_3] : memref<512x1xf32, #tpu.memory_space<vmem>>, vector<512x1xf32>
    %broadcast_in_dim3A = arith.constant 0x7F800000 : f32
    %broadcast_in_dim3A_5 = vector.broadcast %broadcast_in_dim3A : f32 to vector<512x1xf32>
    %broadcast_in_dim3A_6 = arith.constant 0 : i32
    %broadcast_in_dim3A_7 = vector.broadcast %broadcast_in_dim3A_6 : i32 to vector<512x1xi32>
    %iota3A = tpu.iota {dimensions = array<i32: 1>} : vector<512x8192xi32>
    %get3A_8 = arith.constant 0 : index
    %get3A_9 = arith.constant 0 : index
    %get3A_10 = vector.load %arg2[%get3A_8, %get3A_9] : memref<8192x256xbf16, #tpu.memory_space<vmem>>, vector<8192x256xbf16>
    %dot_general3A = arith.constant dense<0.000000e+00> : vector<512x8192xf32>
    %dot_general3A_11 = tpu.matmul %convert_element_type3A, %get3A_10, %dot_general3A {dimension_numbers = #tpu.dot_dimension_numbers<[1], [1], [0], [0], [0, 0, 1, 0], [], []>, transpose_lhs_hint = false} : vector<512x256xbf16>, vector<8192x256xbf16>, vector<512x8192xf32> -> vector<512x8192xf32>
    %mul3A = arith.constant -2.000000e+00 : f32
    %mul3A_12 = vector.broadcast %mul3A : f32 to vector<512x8192xf32>
    %mul3A_13 = arith.mulf %mul3A_12, %dot_general3A_11 : vector<512x8192xf32>
    %add3A = vector.broadcast %get3A_4 : vector<512x1xf32> to vector<512x8192xf32>
    %add3A_14 = arith.addf %add3A, %mul3A_13 : vector<512x8192xf32>
    %get3A_15 = arith.constant 0 : index
    %get3A_16 = arith.constant 0 : index
    %get3A_17 = vector.load %arg4[%get3A_15, %get3A_16] : memref<8x8192xf32, #tpu.memory_space<vmem>>, vector<1x8192xf32>
    %add3A_18 = vector.broadcast %get3A_17 : vector<1x8192xf32> to vector<512x8192xf32>
    %add3A_19 = arith.addf %add3A_14, %add3A_18 : vector<512x8192xf32>
    %reduce_min3A = arith.constant dense<0x7F800000> : vector<512xf32>
    %reduce_min3A_20 = vector.multi_reduction <minimumf>, %add3A_19, %reduce_min3A [1] : vector<512x8192xf32> to vector<512xf32>
    %broadcast_in_dim3A_21 = vector.shape_cast %reduce_min3A_20 : vector<512xf32> to vector<512x1xf32>
    %eq3A = vector.broadcast %broadcast_in_dim3A_21 : vector<512x1xf32> to vector<512x8192xf32>
    %eq3A_22 = arith.cmpf oeq, %add3A_19, %eq3A : vector<512x8192xf32>
    %jit3A = arith.constant 8192 : i32
    %broadcast_in_dim3A_23 = vector.broadcast %jit3A : i32 to vector<512x8192xi32>
    %select_n3A = arith.select %eq3A_22, %iota3A, %broadcast_in_dim3A_23 : vector<512x8192xi1>, vector<512x8192xi32>
    %reduce_min3A_24 = arith.constant dense<2147483647> : vector<512xi32>
    %reduce_min3A_25 = vector.multi_reduction <minsi>, %select_n3A, %reduce_min3A_24 [1] : vector<512x8192xi32> to vector<512xi32>
    %broadcast_in_dim3A_26 = vector.shape_cast %reduce_min3A_25 : vector<512xi32> to vector<512x1xi32>
    %add3A_27 = arith.constant 0 : i32
    %add3A_28 = vector.broadcast %add3A_27 : i32 to vector<512x1xi32>
    %add3A_29 = arith.addi %broadcast_in_dim3A_26, %add3A_28 : vector<512x1xi32>
    %lt3A = arith.cmpf olt, %broadcast_in_dim3A_21, %broadcast_in_dim3A_5 : vector<512x1xf32>
    %select_n3A_30 = arith.select %lt3A, %add3A_29, %broadcast_in_dim3A_7 : vector<512x1xi1>, vector<512x1xi32>
    %swap3A = arith.constant 0 : index
    %swap3A_31 = arith.constant 0 : index
    %swap3A_32 = vector.load %arg5[%swap3A, %swap3A_31] : memref<512x1xi32, #tpu.memory_space<vmem>>, vector<512x1xi32>
    tpu.vector_store %arg5[%swap3A, %swap3A_31], %select_n3A_30 {strides = array<i32>} : memref<512x1xi32, #tpu.memory_space<vmem>>, vector<512x1xi32>,
    return
  }
  func.func @transform_0(%arg0: i32) -> (i32, i32) {
    %c0_i32 = arith.constant 0 : i32
    %c0_i32_0 = arith.constant 0 : i32
    return %arg0, %c0_i32 : i32, i32
  }
  func.func @transform_1(%arg0: i32) -> (i32, i32) {
    %c0_i32 = arith.constant 0 : i32
    %c0_i32_0 = arith.constant 0 : i32
    %c0_i32_1 = arith.constant 0 : i32
    return %c0_i32, %c0_i32_0 : i32, i32
  }
  func.func @transform_2(%arg0: i32) -> (i32, i32) {
    %c0_i32 = arith.constant 0 : i32
    %c0_i32_0 = arith.constant 0 : i32
    return %arg0, %c0_i32 : i32, i32
  }
  func.func @transform_3(%arg0: i32) -> (i32, i32) {
    %c0_i32 = arith.constant 0 : i32
    %c0_i32_0 = arith.constant 0 : i32
    %c0_i32_1 = arith.constant 0 : i32
    return %c0_i32, %c0_i32_0 : i32, i32
  }
  func.func @transform_4(%arg0: i32) -> (i32, i32) {
    %c0_i32 = arith.constant 0 : i32
    %c0_i32_0 = arith.constant 0 : i32
    return %arg0, %c0_i32 : i32, i32
  }
}

module attributes {stable_mosaic.version = 14 : i64} {
  func.func @vqvae_onehot(%arg0: i32, %arg1: i32, %arg2: memref<1024x1xi32, #tpu.memory_space<vmem>>, %arg3: memref<1024x2048xf32, #tpu.memory_space<vmem>>) attributes {dimension_semantics = [#tpu.dimension_semantics<arbitrary>, #tpu.dimension_semantics<arbitrary>], iteration_bounds = array<i64: 8, 4>, scalar_prefetch = 0 : i64, scratch_operands = 0 : i64, tpu.core_type = #tpu.core_type<tc>, window_params = [{transform_indices = @transform_0, window_bounds = array<i64: 1024, 1>}, {transform_indices = @transform_1, window_bounds = array<i64: 1024, 2048>}]} {
    %iota3A = tpu.iota {dimensions = array<i32: 1>} : vector<1024x2048xi32>
    %mul3A = arith.constant 2048 : i32
    %mul3A_0 = arith.muli %arg1, %mul3A : i32
    %add3A = vector.broadcast %mul3A_0 : i32 to vector<1024x2048xi32>
    %add3A_1 = arith.addi %iota3A, %add3A : vector<1024x2048xi32>
    %get3A = arith.constant 0 : index
    %get3A_2 = arith.constant 0 : index
    %get3A_3 = vector.load %arg2[%get3A, %get3A_2] : memref<1024x1xi32, #tpu.memory_space<vmem>>, vector<1024x1xi32>
    %eq3A = vector.broadcast %get3A_3 : vector<1024x1xi32> to vector<1024x2048xi32>
    %eq3A_4 = arith.cmpi eq, %add3A_1, %eq3A : vector<1024x2048xi32>
    %jit3A = arith.constant 1.000000e+00 : f32
    %jit3A_5 = arith.constant 0.000000e+00 : f32
    %broadcast_in_dim3A = vector.broadcast %jit3A : f32 to vector<1024x2048xf32>
    %broadcast_in_dim3A_6 = vector.broadcast %jit3A_5 : f32 to vector<1024x2048xf32>
    %select_n3A = arith.select %eq3A_4, %broadcast_in_dim3A, %broadcast_in_dim3A_6 : vector<1024x2048xi1>, vector<1024x2048xf32>
    %swap3A = arith.constant 0 : index
    %swap3A_7 = arith.constant 0 : index
    %swap3A_8 = vector.load %arg3[%swap3A, %swap3A_7] : memref<1024x2048xf32, #tpu.memory_space<vmem>>, vector<1024x2048xf32>
    tpu.vector_store %arg3[%swap3A, %swap3A_7], %select_n3A {strides = array<i32>} : memref<1024x2048xf32, #tpu.memory_space<vmem>>, vector<1024x2048xf32>,
    return
  }
  func.func @transform_0(%arg0: i32, %arg1: i32) -> (i32, i32) {
    %c0_i32 = arith.constant 0 : i32
    %c0_i32_0 = arith.constant 0 : i32
    return %arg0, %c0_i32 : i32, i32
  }
  func.func @transform_1(%arg0: i32, %arg1: i32) -> (i32, i32) {
    %c0_i32 = arith.constant 0 : i32
    return %arg0, %arg1 : i32, i32
  }
}

module attributes {stable_mosaic.version = 14 : i64} {
  func.func @vqvae_unpack_quant(%arg0: i32, %arg1: memref<512x128xi32, #tpu.memory_space<vmem>>, %arg2: memref<512x128xi32, #tpu.memory_space<vmem>>, %arg3: memref<512x1xi32, #tpu.memory_space<vmem>>, %arg4: memref<512x256xf32, #tpu.memory_space<vmem>>) attributes {dimension_semantics = [#tpu.dimension_semantics<arbitrary>], iteration_bounds = array<i64: 16>, scalar_prefetch = 0 : i64, scratch_operands = 0 : i64, tpu.core_type = #tpu.core_type<tc>, window_params = [{transform_indices = @transform_0, window_bounds = array<i64: 512, 128>}, {transform_indices = @transform_1, window_bounds = array<i64: 512, 128>}, {transform_indices = @transform_2, window_bounds = array<i64: 512, 1>}, {transform_indices = @transform_3, window_bounds = array<i64: 512, 256>}]} {
    %get3A = arith.constant 0 : index
    %get3A_0 = arith.constant 0 : index
    %get3A_1 = vector.load %arg3[%get3A, %get3A_0] : memref<512x1xi32, #tpu.memory_space<vmem>>, vector<512x1xi32>
    %and3A = arith.constant 1 : i32
    %and3A_2 = vector.broadcast %and3A : i32 to vector<512x1xi32>
    %and3A_3 = arith.andi %get3A_1, %and3A_2 : vector<512x1xi32>
    %eq3A = arith.constant 1 : i32
    %eq3A_4 = vector.broadcast %eq3A : i32 to vector<512x1xi32>
    %eq3A_5 = arith.cmpi eq, %and3A_3, %eq3A_4 : vector<512x1xi32>
    %get3A_6 = arith.constant 0 : index
    %get3A_7 = arith.constant 0 : index
    %get3A_8 = vector.load %arg1[%get3A_6, %get3A_7] : memref<512x128xi32, #tpu.memory_space<vmem>>, vector<512x128xi32>
    %and3A_9 = arith.constant -65536 : i32
    %and3A_10 = vector.broadcast %and3A_9 : i32 to vector<512x128xi32>
    %and3A_11 = arith.andi %get3A_8, %and3A_10 : vector<512x128xi32>
    %shift_left3A = arith.constant 16 : i32
    %shift_left3A_12 = vector.broadcast %shift_left3A : i32 to vector<512x128xi32>
    %shift_left3A_13 = arith.shli %get3A_8, %shift_left3A_12 : vector<512x128xi32>
    %broadcast_in_dim3A = vector.shape_cast %eq3A_5 : vector<512x1xi1> to vector<512x1xi1>
    %broadcast_in_dim3A_14 = vector.broadcast %broadcast_in_dim3A : vector<512x1xi1> to vector<512x128xi1>
    %select_n3A = arith.select %broadcast_in_dim3A_14, %and3A_11, %shift_left3A_13 : vector<512x128xi1>, vector<512x128xi32>
    %bitcast_convert_type3A = tpu.bitcast %select_n3A : vector<512x128xi32> -> vector<512x128xf32>
    %get3A_15 = arith.constant 0 : index
    %get3A_16 = arith.constant 0 : index
    %get3A_17 = vector.load %arg2[%get3A_15, %get3A_16] : memref<512x128xi32, #tpu.memory_space<vmem>>, vector<512x128xi32>
    %and3A_18 = arith.constant -65536 : i32
    %and3A_19 = vector.broadcast %and3A_18 : i32 to vector<512x128xi32>
    %and3A_20 = arith.andi %get3A_17, %and3A_19 : vector<512x128xi32>
    %shift_left3A_21 = arith.constant 16 : i32
    %shift_left3A_22 = vector.broadcast %shift_left3A_21 : i32 to vector<512x128xi32>
    %shift_left3A_23 = arith.shli %get3A_17, %shift_left3A_22 : vector<512x128xi32>
    %broadcast_in_dim3A_24 = vector.shape_cast %eq3A_5 : vector<512x1xi1> to vector<512x1xi1>
    %broadcast_in_dim3A_25 = vector.broadcast %broadcast_in_dim3A_24 : vector<512x1xi1> to vector<512x128xi1>
    %select_n3A_26 = arith.select %broadcast_in_dim3A_25, %and3A_20, %shift_left3A_23 : vector<512x128xi1>, vector<512x128xi32>
    %bitcast_convert_type3A_27 = tpu.bitcast %select_n3A_26 : vector<512x128xi32> -> vector<512x128xf32>
    %concatenate3A = tpu.concatenate %bitcast_convert_type3A, %bitcast_convert_type3A_27 in 1 : vector<512x128xf32>, vector<512x128xf32> -> vector<512x256xf32>
    %swap3A = arith.constant 0 : index
    %swap3A_28 = arith.constant 0 : index
    %swap3A_29 = vector.load %arg4[%swap3A, %swap3A_28] : memref<512x256xf32, #tpu.memory_space<vmem>>, vector<512x256xf32>
    tpu.vector_store %arg4[%swap3A, %swap3A_28], %concatenate3A {strides = array<i32>} : memref<512x256xf32, #tpu.memory_space<vmem>>, vector<512x256xf32>,
    return
  }
  func.func @transform_0(%arg0: i32) -> (i32, i32) {
    %c0_i32 = arith.constant 0 : i32
    %c0_i32_0 = arith.constant 0 : i32
    return %arg0, %c0_i32 : i32, i32
  }
  func.func @transform_1(%arg0: i32) -> (i32, i32) {
    %c0_i32 = arith.constant 0 : i32
    %c0_i32_0 = arith.constant 0 : i32
    return %arg0, %c0_i32 : i32, i32
  }
  func.func @transform_2(%arg0: i32) -> (i32, i32) {
    %c0_i32 = arith.constant 0 : i32
    %c0_i32_0 = arith.constant 0 : i32
    return %arg0, %c0_i32 : i32, i32
  }
  func.func @transform_3(%arg0: i32) -> (i32, i32) {
    %c0_i32 = arith.constant 0 : i32
    %c0_i32_0 = arith.constant 0 : i32
    return %arg0, %c0_i32 : i32, i32
  }
}

module attributes {stable_mosaic.version = 14 : i64} {
  func.func @vqvae_decoder(%arg0: memref<1024x2048xf32, #tpu.memory_space<vmem>>, %arg1: memref<1024x2048xf32, #tpu.memory_space<vmem>>, %arg2: memref<2048x2048xbf16, #tpu.memory_space<vmem>>, %arg3: memref<1x2048xf32, #tpu.memory_space<vmem>>, %arg4: memref<2048x2048xbf16, #tpu.memory_space<vmem>>, %arg5: memref<1x2048xf32, #tpu.memory_space<vmem>>, %arg6: memref<2048x256xbf16, #tpu.memory_space<vmem>>, %arg7: memref<1x256xf32, #tpu.memory_space<vmem>>, %arg8: memref<256x128xbf16, #tpu.memory_space<vmem>>, %arg9: memref<1x128xf32, #tpu.memory_space<vmem>>, %arg10: memref<1024x128xf32, #tpu.memory_space<vmem>>) attributes {dimension_semantics = [], scalar_prefetch = 0 : i64, scratch_operands = 0 : i64, tpu.core_type = #tpu.core_type<tc>} {
    %get3A = arith.constant 0 : index
    %get3A_0 = arith.constant 0 : index
    %get3A_1 = vector.load %arg0[%get3A, %get3A_0] : memref<1024x2048xf32, #tpu.memory_space<vmem>>, vector<1024x2048xf32>
    %get3A_2 = arith.constant 0 : index
    %get3A_3 = arith.constant 0 : index
    %get3A_4 = vector.load %arg1[%get3A_2, %get3A_3] : memref<1024x2048xf32, #tpu.memory_space<vmem>>, vector<1024x2048xf32>
    %sub3A = arith.subf %get3A_4, %get3A_1 : vector<1024x2048xf32>
    %add3A = arith.addf %get3A_1, %sub3A : vector<1024x2048xf32>
    %convert_element_type3A = arith.truncf %add3A : vector<1024x2048xf32> to vector<1024x2048xbf16>
    %get3A_5 = arith.constant 0 : index
    %get3A_6 = arith.constant 0 : index
    %get3A_7 = vector.load %arg2[%get3A_5, %get3A_6] : memref<2048x2048xbf16, #tpu.memory_space<vmem>>, vector<2048x2048xbf16>
    %dot_general3A = arith.constant dense<0.000000e+00> : vector<1024x2048xf32>
    %dot_general3A_8 = tpu.matmul %convert_element_type3A, %get3A_7, %dot_general3A {dimension_numbers = #tpu.dot_dimension_numbers<[1], [0], [0], [1], [0, 0, 1, 1], [], []>, transpose_lhs_hint = false} : vector<1024x2048xbf16>, vector<2048x2048xbf16>, vector<1024x2048xf32> -> vector<1024x2048xf32>
    %get3A_9 = arith.constant 0 : index
    %get3A_10 = arith.constant 0 : index
    %get3A_11 = vector.load %arg3[%get3A_9, %get3A_10] : memref<1x2048xf32, #tpu.memory_space<vmem>>, vector<1x2048xf32>
    %add3A_12 = vector.broadcast %get3A_11 : vector<1x2048xf32> to vector<1024x2048xf32>
    %add3A_13 = arith.addf %dot_general3A_8, %add3A_12 : vector<1024x2048xf32>
    %ge3A = arith.constant 0.000000e+00 : f32
    %ge3A_14 = vector.broadcast %ge3A : f32 to vector<1024x2048xf32>
    %ge3A_15 = arith.cmpf oge, %add3A_13, %ge3A_14 : vector<1024x2048xf32>
    %mul3A = arith.constant 2.000000e-01 : f32
    %mul3A_16 = vector.broadcast %mul3A : f32 to vector<1024x2048xf32>
    %mul3A_17 = arith.mulf %mul3A_16, %add3A_13 : vector<1024x2048xf32>
    %select_n3A = arith.select %ge3A_15, %add3A_13, %mul3A_17 : vector<1024x2048xi1>, vector<1024x2048xf32>
    %convert_element_type3A_18 = arith.truncf %select_n3A : vector<1024x2048xf32> to vector<1024x2048xbf16>
    %get3A_19 = arith.constant 0 : index
    %get3A_20 = arith.constant 0 : index
    %get3A_21 = vector.load %arg4[%get3A_19, %get3A_20] : memref<2048x2048xbf16, #tpu.memory_space<vmem>>, vector<2048x2048xbf16>
    %dot_general3A_22 = arith.constant dense<0.000000e+00> : vector<1024x2048xf32>
    %dot_general3A_23 = tpu.matmul %convert_element_type3A_18, %get3A_21, %dot_general3A_22 {dimension_numbers = #tpu.dot_dimension_numbers<[1], [0], [0], [1], [0, 0, 1, 1], [], []>, transpose_lhs_hint = false} : vector<1024x2048xbf16>, vector<2048x2048xbf16>, vector<1024x2048xf32> -> vector<1024x2048xf32>
    %get3A_24 = arith.constant 0 : index
    %get3A_25 = arith.constant 0 : index
    %get3A_26 = vector.load %arg5[%get3A_24, %get3A_25] : memref<1x2048xf32, #tpu.memory_space<vmem>>, vector<1x2048xf32>
    %add3A_27 = vector.broadcast %get3A_26 : vector<1x2048xf32> to vector<1024x2048xf32>
    %add3A_28 = arith.addf %dot_general3A_23, %add3A_27 : vector<1024x2048xf32>
    %ge3A_29 = arith.constant 0.000000e+00 : f32
    %ge3A_30 = vector.broadcast %ge3A_29 : f32 to vector<1024x2048xf32>
    %ge3A_31 = arith.cmpf oge, %add3A_28, %ge3A_30 : vector<1024x2048xf32>
    %mul3A_32 = arith.constant 2.000000e-01 : f32
    %mul3A_33 = vector.broadcast %mul3A_32 : f32 to vector<1024x2048xf32>
    %mul3A_34 = arith.mulf %mul3A_33, %add3A_28 : vector<1024x2048xf32>
    %select_n3A_35 = arith.select %ge3A_31, %add3A_28, %mul3A_34 : vector<1024x2048xi1>, vector<1024x2048xf32>
    %convert_element_type3A_36 = arith.truncf %select_n3A_35 : vector<1024x2048xf32> to vector<1024x2048xbf16>
    %get3A_37 = arith.constant 0 : index
    %get3A_38 = arith.constant 0 : index
    %get3A_39 = vector.load %arg6[%get3A_37, %get3A_38] : memref<2048x256xbf16, #tpu.memory_space<vmem>>, vector<2048x256xbf16>
    %dot_general3A_40 = arith.constant dense<0.000000e+00> : vector<1024x256xf32>
    %dot_general3A_41 = tpu.matmul %convert_element_type3A_36, %get3A_39, %dot_general3A_40 {dimension_numbers = #tpu.dot_dimension_numbers<[1], [0], [0], [1], [0, 0, 1, 1], [], []>, transpose_lhs_hint = false} : vector<1024x2048xbf16>, vector<2048x256xbf16>, vector<1024x256xf32> -> vector<1024x256xf32>
    %get3A_42 = arith.constant 0 : index
    %get3A_43 = arith.constant 0 : index
    %get3A_44 = vector.load %arg7[%get3A_42, %get3A_43] : memref<1x256xf32, #tpu.memory_space<vmem>>, vector<1x256xf32>
    %add3A_45 = vector.broadcast %get3A_44 : vector<1x256xf32> to vector<1024x256xf32>
    %add3A_46 = arith.addf %dot_general3A_41, %add3A_45 : vector<1024x256xf32>
    %ge3A_47 = arith.constant 0.000000e+00 : f32
    %ge3A_48 = vector.broadcast %ge3A_47 : f32 to vector<1024x256xf32>
    %ge3A_49 = arith.cmpf oge, %add3A_46, %ge3A_48 : vector<1024x256xf32>
    %mul3A_50 = arith.constant 2.000000e-01 : f32
    %mul3A_51 = vector.broadcast %mul3A_50 : f32 to vector<1024x256xf32>
    %mul3A_52 = arith.mulf %mul3A_51, %add3A_46 : vector<1024x256xf32>
    %select_n3A_53 = arith.select %ge3A_49, %add3A_46, %mul3A_52 : vector<1024x256xi1>, vector<1024x256xf32>
    %convert_element_type3A_54 = arith.truncf %select_n3A_53 : vector<1024x256xf32> to vector<1024x256xbf16>
    %get3A_55 = arith.constant 0 : index
    %get3A_56 = arith.constant 0 : index
    %get3A_57 = vector.load %arg8[%get3A_55, %get3A_56] : memref<256x128xbf16, #tpu.memory_space<vmem>>, vector<256x128xbf16>
    %dot_general3A_58 = arith.constant dense<0.000000e+00> : vector<1024x128xf32>
    %dot_general3A_59 = tpu.matmul %convert_element_type3A_54, %get3A_57, %dot_general3A_58 {dimension_numbers = #tpu.dot_dimension_numbers<[1], [0], [0], [1], [0, 0, 1, 1], [], []>, transpose_lhs_hint = false} : vector<1024x256xbf16>, vector<256x128xbf16>, vector<1024x128xf32> -> vector<1024x128xf32>
    %get3A_60 = arith.constant 0 : index
    %get3A_61 = arith.constant 0 : index
    %get3A_62 = vector.load %arg9[%get3A_60, %get3A_61] : memref<1x128xf32, #tpu.memory_space<vmem>>, vector<1x128xf32>
    %add3A_63 = vector.broadcast %get3A_62 : vector<1x128xf32> to vector<1024x128xf32>
    %add3A_64 = arith.addf %dot_general3A_59, %add3A_63 : vector<1024x128xf32>
    %ge3A_65 = arith.constant 0.000000e+00 : f32
    %ge3A_66 = vector.broadcast %ge3A_65 : f32 to vector<1024x128xf32>
    %ge3A_67 = arith.cmpf oge, %add3A_64, %ge3A_66 : vector<1024x128xf32>
    %mul3A_68 = arith.constant 2.000000e-01 : f32
    %mul3A_69 = vector.broadcast %mul3A_68 : f32 to vector<1024x128xf32>
    %mul3A_70 = arith.mulf %mul3A_69, %add3A_64 : vector<1024x128xf32>
    %select_n3A_71 = arith.select %ge3A_67, %add3A_64, %mul3A_70 : vector<1024x128xi1>, vector<1024x128xf32>
    %swap3A = arith.constant 0 : index
    %swap3A_72 = arith.constant 0 : index
    %swap3A_73 = vector.load %arg10[%swap3A, %swap3A_72] : memref<1024x128xf32, #tpu.memory_space<vmem>>, vector<1024x128xf32>
    tpu.vector_store %arg10[%swap3A, %swap3A_72], %select_n3A_71 {strides = array<i32>} : memref<1024x128xf32, #tpu.memory_space<vmem>>, vector<1024x128xf32>,
    return
  }
}

</mosaic_0001>

<sc_bundles>
// kernel: vqvae_sc_gather.3.cloned.1.call-start
scs
__scs_entry_jumppad:
0x0: {  	(pc) =	sbr.rel $0x88, $3  }
0x1: {  	(tag) =	ssettag $0x0;
	lr =	simm.s32 $0x1  }
0x2: {  	[smem:$0x3F8F] =	sst lr;
	_ =	strace $0xD0000000  }
0x3: {  	_ = 	snop  }
0x4: {  	_ = 	snop  }
0x5: {  	_ = 	snop  }
0x6: {  	_ = 	snop  }
0x7: {  	_ = 	snop  }
__scs_overlays_trampoline_lowered:
0x8: {  	[smem:$0x3F9E] =	sst s0  }
0x9: {  	[smem:$0x3F9F] =	sst s1  }
0xa: {  	[smem:$0x3FA0] =	sst s2  }
0xb: {  	[smem:$0x3FA1] =	sst s3  }
0xc: {  	[smem:$0x3FA2] =	sst s4  }
0xd: {  	[smem:$0x3FA3] =	sst s5  }
0xe: {  	[smem:$0x3FA4] =	sst s6  }
0xf: {  	[smem:$0x3FA5] =	sst s7  }
0x10: {  	[smem:$0x3FA6] =	sst s8  }
0x11: {  	[smem:$0x3FA7] =	sst s9;
	s0 =	simm.s32 @!p0 $0x0  }
0x12: {  	s1 =	sld [smem:$0x3F8D];
	s0 =	simm.s32 @p0 $0x1  }
0x13: {  	[smem:$0x3FA8] =	sst s0;
	s0 =	simm.s32 @!p1 $0x0  }
0x14: {  	s2 =	sld [smem:$0x3F8C];
	s0 =	simm.s32 @p1 $0x1  }
0x15: {  	[smem:$0x3FA9] =	sst s0;
	s0 =	simm.s32 @!p2 $0x0  }
0x16: {  	s3 =	sld [smem:$0x3FDB];
	s0 =	simm.s32 @p2 $0x1  }
0x17: {  	s4 =	simm.s32 $0x1BF5;
	[smem:$0x3FAB] =	sst s0  }
0x18: {  	s0 =	sld [smem:$0x3F8E];
	_ =	swait.ge [sflag:s4], $0x0  }
0x19: {  	s7 =	sld [smem:$0x3F8F]  }
0x1a: {  	s8 =	sadd.s32 $0xFFFFE003, lr  }
0x1b: {  	s9 =	sadd.s32 $0xFFFFFEF7, lr;
	s5 =	simm.s32 $0xFFFFFFFF;
	p2 =	slt.u32 s8, $0xFFFFF086  }
0x1c: {  	p1 =	slt.u32 s9, $0xF7A;
	s5 =	simm.s32 @!p2 $0x0  }
0x1d: {  	s5 =	simm.s32 @p1 $0x1;
	p0 =	seq.s32 s7, s2  }
0x1e: {  	s7 =	smul.u32 @!p0 $0xF7A, s2;
	p2 =	seq.s32 @!p0 s5, $0x0  }
0x1f: {  	s9 =	smul.u32 $0xF7A, s1;
	s8 =	simm.s32 @!p0 $0x1BF5;
	p2 =	por !p2, p0  }
0x20: {  	[sflag:s8] =	ssyncset.s32 @!p0 $0xFFFFF086;
	s6 =	sadd.s32 @!p0 s3, s7;
	s7 =	simm.s32 @!p0 $0x108  }
0x21: {  	s3 =	sadd.s32 s3, s9;
	s6 =	sadd.s32 @!p0 $0x88, s6;
	s7 =	simm.s32 @p2 $0x1082  }
0x22: {  	[simem:s7], [sflag:s8] =	dma.local @!p0 [hbm:s6], $0xF7A  }
0x23: {  	s9 =	sor.u32 $0xD0000000, s2;
	s6 =	simm.s32 $0x108;
	_ =	swait.ge @!p0 [sflag:s8], $0x0  }
0x24: {  	s3 =	sadd.s32 $0x88, s3;
	s6 =	simm.s32 @!p1 $0x1082;
	[sflag:s4] =	ssyncset.s32 $0xFFFFF086  }
0x25: {  	[simem:s6], [sflag:s4] =	dma.local [hbm:s3], $0xF7A  }
0x26: {  	[smem:$0x3F8F] =	sst s1;
	(tag) =	ssettag s2;
	_ =	strace s9  }
0x27: {  	s1 =	sld [smem:$0x3F9F]  }
0x28: {  	s2 =	sld [smem:$0x3FA0]  }
0x29: {  	s4 =	sld [smem:$0x3FA2]  }
0x2a: {  	p0 =	seq.s32 s5, $0x0;
	s5 =	sld [smem:$0x3FA3]  }
0x2b: {  	s6 =	sld [smem:$0x3FA4]  }
0x2c: {  	s7 =	sld [smem:$0x3FA5]  }
0x2d: {  	s3 =	simm.s32 $0x108;
	s8 =	sld [smem:$0x3FA6]  }
0x2e: {  	s3 =	simm.s32 @!p0 $0x1082;
	s9 =	sld [smem:$0x3FA7]  }
0x2f: {  	lr =	sadd.s32 s0, s3;
	s0 =	sld [smem:$0x3F9E]  }
0x30: {  	s3 =	sld [smem:$0x3FA1]  }
0x31: {  	[smem:$0x3FAA] =	sst s10  }
0x32: {  	s10 =	sld [smem:$0x3FA8];
	_ =	sdelay $0x3  }
0x33: {  	p0 =	seq.s32 s10, $0x1;
	s10 =	sld [smem:$0x3FAA];
	_ =	sdelay $0x3  }
0x34: {  	[smem:$0x3FAA] =	sst s10  }
0x35: {  	s10 =	sld [smem:$0x3FA9];
	_ =	sdelay $0x3  }
0x36: {  	p1 =	seq.s32 s10, $0x1;
	s10 =	sld [smem:$0x3FAA];
	_ =	sdelay $0x3  }
0x37: {  	[smem:$0x3FAA] =	sst s10  }
0x38: {  	s10 =	sld [smem:$0x3FAB]  }
0x39: {  	_ = 	snop;
	(pc) =	sbr.ind lr, $3  }
0x3a: {  	_ = 	snop  }
0x3b: {  	_ = 	snop  }
0x3c: {  	p2 =	seq.s32 s10, $0x1;
	s10 =	sld [smem:$0x3FAA]  }
0x3d: {  	_ =	shalt  }
0x3e: {  	_ =	shalt  }
0x3f: {  	_ =	shalt  }
0x40: {  	_ =	shalt  }
0x41: {  	_ =	shalt  }
0x42: {  	_ =	shalt  }
0x43: {  	_ =	shalt  }
0x44: {  	_ =	shalt  }
0x45: {  	_ =	shalt  }
0x46: {  	_ =	shalt  }
0x47: {  	_ =	shalt  }
0x48: {  	_ =	shalt  }
0x49: {  	_ =	shalt  }
0x4a: {  	_ =	shalt  }
0x4b: {  	_ =	shalt  }
0x4c: {  	_ =	shalt  }
0x4d: {  	_ =	shalt  }
0x4e: {  	_ =	shalt  }
0x4f: {  	_ =	shalt  }
0x50: {  	_ =	shalt  }
0x51: {  	_ =	shalt  }
0x52: {  	_ =	shalt  }
0x53: {  	_ =	shalt  }
0x54: {  	_ =	shalt  }
0x55: {  	_ =	shalt  }
0x56: {  	_ =	shalt  }
0x57: {  	_ =	shalt  }
0x58: {  	_ =	shalt  }
0x59: {  	_ =	shalt  }
0x5a: {  	_ =	shalt  }
0x5b: {  	_ =	shalt  }
0x5c: {  	_ =	shalt  }
0x5d: {  	_ =	shalt  }
0x5e: {  	_ =	shalt  }
0x5f: {  	_ =	shalt  }
0x60: {  	_ =	shalt  }
0x61: {  	_ =	shalt  }
0x62: {  	_ =	shalt  }
0x63: {  	_ =	shalt  }
0x64: {  	_ =	shalt  }
0x65: {  	_ =	shalt  }
0x66: {  	_ =	shalt  }
0x67: {  	_ =	shalt  }
0x68: {  	_ =	shalt  }
0x69: {  	_ =	shalt  }
0x6a: {  	_ =	shalt  }
0x6b: {  	_ =	shalt  }
0x6c: {  	_ =	shalt  }
0x6d: {  	_ =	shalt  }
0x6e: {  	_ =	shalt  }
0x6f: {  	_ =	shalt  }
0x70: {  	_ =	shalt  }
0x71: {  	_ =	shalt  }
0x72: {  	_ =	shalt  }
0x73: {  	_ =	shalt  }
0x74: {  	_ =	shalt  }
0x75: {  	_ =	shalt  }
0x76: {  	_ =	shalt  }
0x77: {  	_ =	shalt  }
0x78: {  	_ =	shalt  }
0x79: {  	_ =	shalt  }
0x7a: {  	_ =	shalt  }
0x7b: {  	_ =	shalt  }
0x7c: {  	_ =	shalt  }
0x7d: {  	_ =	shalt  }
0x7e: {  	_ =	shalt  }
0x7f: {  	_ =	shalt  }
0x80: {  	_ =	shalt  }
0x81: {  	_ =	shalt  }
0x82: {  	_ =	shalt  }
0x83: {  	_ =	shalt  }
0x84: {  	_ =	shalt  }
0x85: {  	_ =	shalt  }
0x86: {  	_ =	shalt  }
0x87: {  	_ =	shalt  }
.Lfunc_end0:
.L_simem_size_0:
called_computation_lowered:
.L_overlay_start_0:
0x88: {  	s2 =	sld [smem:$0x3FD9]  }
0x89: {  	s3 =	sld [smem:$0x3FFE];
	_ =	sdelay $0x1  }
0x8a: {  	s1 =	srdreg.scid  }
0x8b: {  	s0 =	sand.u32 $0x1, s1  }
0x8c: {  	s14 =	sshll.u32 s0, $0xA;
	s2 =	sadd.s32 s3, s2  }
0x8d: {  	s2 =	sadd.s32 s2, s14  }
0x8e: {  	[smem:$0x3FB6] =	sst s2  }
0x8f: {  	_ = 	snop  }
0x90: {  	s2 =	sld [smem:$0x3FD0];
	_ =	sdelay $0x2  }
0x91: {  	s15 =	simm.s32 $0xA;
	s4 =	simm.s32 $0x10  }
0x92: {  	[smem:s4], [sflag:s15] =	dma.local [hbm:s2], $0x1  }
0x93: {  	_ =	swait.eq [sflag:s15], $0x1  }
0x94: {  	[sflag:s15] =	ssyncset.done $0x0  }
0x95: {  	s16 =	sld [smem:$0x10];
	[sflag:s15] =	ssyncadd.s32 $0xFFFFFFFF  }
0x96: {  	s17 =	sld [smem:$0x13];
	(tm) =	ssettm $0x1  }
0x97: {  	s18 =	sld [smem:$0x3FFB];
	_ =	sdelay $0x3  }
0x98: {  	_ =	strace s18  }
0x99: {  	s4 =	sld [smem:$0x3FFC];
	_ =	sdelay $0x3  }
0x9a: {  	_ =	strace s4  }
0x9b: {  	s4 =	sld [smem:$0x3FFD];
	_ =	sdelay $0x3  }
0x9c: {  	_ =	strace s4  }
0x9d: {  	_ =	strace $0x8FFFFFFF  }
0x9e: {  	s19 =	sld [smem:$0x3FDB];
	_ =	sdelay $0x1  }
0x9f: {  	s5 =	simm.s32 $_scs_section_size  }
0xa0: {  	s6 =	simm.s32 $_size__tile_overlayer_lowered;
	s7 =	simm.s32 $_tile_overlayer_lowered  }
0xa1: {  	s22 =	simm.s32 $0x1BFF;
	s21 =	sshll.u32 s7, $0x1;
	s4 =	sadd.s32 s5, s19  }
0xa2: {  	s8 =	simm.s32 $0x0;
	s20 =	sshll.u32 s6, $0x1;
	s6 =	sadd.s32 s21, s4  }
0xa3: {  	[timem:s8], [sflag:s22] =	dma.local [hbm:s6], s20  }
0xa4: {  	_ =	swait.ge [sflag:s22], s20  }
0xa5: {  	s5 =	ssub.s32 $0x0, s20;
	[sflag:s22] =	ssyncset.done $0x0  }
0xa6: {  	[sflag:s22] =	ssyncadd.s32 s5;
	_ =	sdelay $0x1  }
0xa7: {  	s23 =	simm.s32 $0x1B8B  }
0xa8: {  	_ =	swait.ge [sflag:s23], $0x1  }
0xa9: {  	[sflag:s23] =	ssyncset.done $0x0  }
0xaa: {  	s25 =	simm.s32 $0x1B8E;
	s24 =	sld [smem:$0x3FFE];
	[sflag:s23] =	ssyncadd.s32 $0xFFFFFFFF  }
0xab: {  	s26 =	simm.s32 $execute0_lowered;
	[smem:$0x3FD2] =	sst s25  }
0xac: {  	s6 =	sshll.u32 s26, $0x1;
	_ =	strace $0x80000046;
	[dreg:$0x1] =	wrdreg $0xFFFFFFFF  }
0xad: {  	s28 =	simm.s32 $_size_execute0_lowered;
	s4 =	sadd.s32 s4, s6;
	[dreg:$0x0] =	wrdreg $0x0  }
0xae: {  	s6 =	sshll.u32 s28, $0x1;
	[dreg:$0x2] =	wrdreg s4  }
0xaf: {  	[dreg:$0x3] =	wrdreg s6  }
0xb0: {  	[dreg:$0x4] =	wrdreg $0xC0  }
0xb1: {  	_ =	task [dreg:s8], $0x5FFFF  }
0xb2: {  	[dreg:$0x1] =	wrdreg $0xFFFFFFFF  }
0xb3: {  	[dreg:$0x0] =	wrdreg $0x60  }
0xb4: {  	[dreg:$0x2] =	wrdreg s24  }
0xb5: {  	[dreg:$0x3] =	wrdreg s16  }
0xb6: {  	[dreg:$0x4] =	wrdreg s17  }
0xb7: {  	[dreg:$0x5] =	wrdreg $0x104000  }
0xb8: {  	[dreg:$0x6] =	wrdreg $0x9  }
0xb9: {  	_ =	task.clear_ibuf [dreg:s8], $0x7FFFF;
	_ =	strace $0x90000046  }
0xba: {  	s29 =	simm.s32 $0x9;
	_ =	strace $0x80000048  }
0xbb: {  	_ =	swait.ge [sflag:s29], $0x1  }
0xbc: {  	[sflag:s29] =	ssyncadd.s32 $0xFFFFFFFF  }
0xbd: {  	_ =	strace $0x90000048  }
0xbe: {  	_ =	sfence  }
0xbf: {  	s30 =	sld [smem:$0x0];
	_ =	sdelay $0x2  }
0xc0: {  	s31 =	sshll.u32 s1, $0xD;
	s1 =	sshrl.u32 s1, $0x2  }
0xc1: {  	s3 =	sand.u32 $0x4000, s31;
	s1 =	sadd.s32 s1, s30  }
0xc2: {  	s0 =	sor.u32 s3, s0;
	s1 =	sshll.u32 s1, $0x11  }
0xc3: {  	s0 =	sor.u32 s1, s0  }
0xc4: {  	s0 =	sadd.s32 $0x8F2B, s0  }
0xc5: {  	[sflag:s0] =	ssyncadd.remote.s32 $0x1  }
0xc6: {  	_ =	sfence.sel $0xFFFF  }
0xc7: {  	[dreg:$0x0] =	wrdreg $0xFFFFFFFF;
	(pc) =	sbr.abs _section_cstart, $3  }
0xc8: {  	[dreg:$0x1] =	wrdreg $0xFFFFFFFF  }
0xc9: {  	_ =	task.clear_ibuf [dreg:s8], $0x2FFFF;
	_ =	strace $0x9FFFFFFF  }
0xca: {  	(tm) =	ssettm $0x7FFFFFFF  }
0xcb: {  	_ =	shalt  }
tec
execute0_lowered:
.L_overlay_start_1:
0x0: {  	(tag) =	ssettag $0x1  }
0x1: {  	s0 =	rddreg [dreg:$0x0]  }
0x2: {  	s1 =	rddreg [dreg:$0x1]  }
0x3: {  	s4 =	rddreg [dreg:$0x2]  }
0x4: {  	s2 =	rddreg [dreg:$0x3];
	s3 =	simm.s32 $0x0  }
0x5: {  	[smem:$0x7FF] =	sst s3;
	s5 =	sadd.s32 $0x23400, s0  }
0x6: {  	s14 =	sadd.s32 $0x3400, s0;
	_ =	strace $0x80000047;
	[dreg:$0x5] =	wrdreg s5  }
0x7: {  	s11 =	simm.s32 $0x400;
	[dreg:$0x6] =	wrdreg s14  }
0x8: {  	s8 =	stileid.u32;
	s12 =	simm.s32 $0x80;
	[dreg:$0x19] =	wrdreg s11  }
0x9: {  	s13 =	simm.s32 $0x2400;
	s7 =	sshll.u32 s8, $0x7;
	[dreg:$0x1a] =	wrdreg s12  }
0xa: {  	s6 =	sshll.u32 s8, $0xD;
	s1 =	sadd.s32 s1, s7;
	[dreg:$0x1b] =	wrdreg s13  }
0xb: {  	s0 =	sadd.s32 s6, s0;
	s14 =	simm.s32 $0x100;
	[dreg:$0x7] =	wrdreg s1  }
0xc: {  	s4 =	sadd.s32 s4, s6;
	s15 =	sadd.s32 $0x33400, s0;
	[dreg:$0x1c] =	wrdreg s14  }
0xd: {  	s16 =	sadd.s32 $0x400, s4;
	[dreg:$0x8] =	wrdreg s15  }
0xe: {  	s17 =	sadd.s32 $0x33800, s0;
	[dreg:$0x9] =	wrdreg s16  }
0xf: {  	s18 =	sadd.s32 $0x800, s4;
	[dreg:$0xa] =	wrdreg s17  }
0x10: {  	s19 =	sadd.s32 $0x33C00, s0;
	[dreg:$0xb] =	wrdreg s18  }
0x11: {  	s20 =	sadd.s32 $0xC00, s4;
	[dreg:$0xc] =	wrdreg s19  }
0x12: {  	s21 =	sadd.s32 $0x34000, s0;
	[dreg:$0xd] =	wrdreg s20  }
0x13: {  	s22 =	sadd.s32 $0x1000, s4;
	[dreg:$0xe] =	wrdreg s21  }
0x14: {  	s23 =	sadd.s32 $0x34400, s0;
	[dreg:$0xf] =	wrdreg s22  }
0x15: {  	s24 =	sadd.s32 $0x1400, s4;
	[dreg:$0x10] =	wrdreg s23  }
0x16: {  	s26 =	sadd.s32 $0x34800, s0;
	[dreg:$0x11] =	wrdreg s24  }
0x17: {  	s6 =	sadd.s32 $0x1800, s4;
	[dreg:$0x12] =	wrdreg s26  }
0x18: {  	s9 =	sadd.s32 $0x34C00, s0;
	[dreg:$0x13] =	wrdreg s6  }
0x19: {  	s10 =	sadd.s32 $0x1C00, s4;
	[dreg:$0x14] =	wrdreg s9  }
0x1a: {  	s0 =	sadd.s32 $0x35000, s0;
	[dreg:$0x15] =	wrdreg s10  }
0x1b: {  	[dreg:$0x16] =	wrdreg s0;
	s15 =	simm.s32 $0x4400  }
0x1c: {  	s16 =	simm.s32 $0x180;
	[dreg:$0x1d] =	wrdreg s15  }
0x1d: {  	s17 =	simm.s32 $0x6400;
	[dreg:$0x1e] =	wrdreg s16  }
0x1e: {  	s18 =	simm.s32 $0x200;
	[dreg:$0x1f] =	wrdreg s17  }
0x1f: {  	s25 =	srdreg.scid;
	s19 =	simm.s32 $0x8400;
	[smem:$0x7FA] =	sst s18  }
0x20: {  	s7 =	sand.u32 $0x1, s25;
	s20 =	simm.s32 $0x280;
	[smem:$0x7F9] =	sst s19  }
0x21: {  	s5 =	sor.u32 s7, s8;
	s21 =	simm.s32 $0xA400;
	[smem:$0x7FB] =	sst s20  }
0x22: {  	p0 =	sne.s32 s5, $0x0;
	s22 =	simm.s32 $0x300;
	[smem:$0x7FC] =	sst s21  }
0x23: {  	s1 =	sshll.u32 @!p0 s8, $0x6;
	[smem:$0x7FD] =	sst s22  }
0x24: {  	s0 =	sor.u32 @!p0 $0x1C02, s1;
	s1 =	rddreg [dreg:$0x5]  }
0x25: {  	[dreg:$0x17] =	wrdreg s0;
	s0 =	sshrl.u32 @!p0 s2, $0x3  }
0x26: {  	[dreg:$0x18] =	wrdreg s0  }
0x27: {  	p2 =	seq.s32 s8, $0x0;
	p1 =	seq.s32 s7, $0x1;
	s6 =	rddreg [dreg:$0x17]  }
0x28: {  	p2 =	por !p2, !p1;
	s5 =	simm.s32 @!p0 $0x2;
	s0 =	rddreg [dreg:$0x18]  }
0x29: {  	[spmem:s0], [sflag:s6] =	dma.local @!p0 [hbm:s1], $0x10000  }
0x2a: {  	p2 =	por !p2, !p2;
	_ =	swait.ge @!p0 [sflag:s5], $0x10000  }
0x2b: {  	s8 =	simm.s32 @p2 $0x2;
	s6 =	sshrl.u32 @p2 s2, $0x3;
	[sflag:s5] =	ssyncset.done @!p0 $0x0  }
0x2c: {  	s1 =	simm.s32 @p2 $0x1C02;
	s0 =	rddreg [dreg:$0x6];
	[sflag:s5] =	ssyncadd.s32 @!p0 $0xFFFF0000  }
0x2d: {  	[spmem:s6], [sflag:s1] =	dma.local @p2 [hbm:s0], $0x10000  }
0x2e: {  	_ =	swait.ge @p2 [sflag:s8], $0x10000  }
0x2f: {  	[sflag:s8] =	ssyncset.done @p2 $0x0  }
0x30: {  	[sflag:s8] =	ssyncadd.s32 @p2 $0xFFFF0000  }
0x31: {  	[bflag:$0x0] =	sbarrier.arrive $0xFFFF  }
0x32: {  	s9 =	simm.s32 $0x2;
	s23 =	rddreg [dreg:$0x7]  }
0x33: {  	[tilespmem:s3], [sflag:$0x2] =	stream.linear.gather [hbm4b:s23+s3], $0x400, $0x38;
	[tilespmem:$0x18400] =	vst v63  }
0x34: {  	_ =	swait.ge [sflag:s9], $0x400  }
0x35: {  	s24 =	rddreg [dreg:$0x1a]  }
0x36: {  	s25 =	rddreg [dreg:$0x1b]  }
0x37: {  	s11 =	rddreg [dreg:$0x1d]  }
0x38: {  	s12 =	sld [smem:$0x7F9]  }
0x39: {  	s13 =	rddreg [dreg:$0x19]  }
0x3a: {  	[sflag:s9] =	ssyncset.done $0x0;
	s14 =	rddreg [dreg:$0x1f]  }
0x3b: {  	s10 =	simm.s32 $0x40;
	s15 =	rddreg [dreg:$0x1c];
	[sflag:s9] =	ssyncadd.s32 $0xFFFFFC00  }
0x3c: {  	[tilespmem:s13], [sflag:$0x1] =	stream.indirect.gather [spmem:s2], $0x80, s3, s10, $0xb8;
	[tilespmem:$0x18400] =	vst v63  }
0x3d: {  	s26 =	rddreg [dreg:$0x1e]  }
0x3e: {  	[tilespmem:s25], [sflag:$0x1] =	stream.indirect.gather [spmem:s2], $0x80, s24, s10, $0xb8;
	[tilespmem:$0x18400] =	vst v63  }
0x3f: {  	s16 =	sld [smem:$0x7FA]  }
0x40: {  	[tilespmem:s11], [sflag:$0x1] =	stream.indirect.gather [spmem:s2], $0x80, s15, s10, $0xb8;
	[tilespmem:$0x18400] =	vst v63  }
0x41: {  	s17 =	sld [smem:$0x7FB]  }
0x42: {  	[tilespmem:s14], [sflag:$0x1] =	stream.indirect.gather [spmem:s2], $0x80, s26, s10, $0xb8;
	[tilespmem:$0x18400] =	vst v63  }
0x43: {  	s18 =	sld [smem:$0x7FC]  }
0x44: {  	[tilespmem:s12], [sflag:$0x1] =	stream.indirect.gather [spmem:s2], $0x80, s16, s10, $0xb8;
	[tilespmem:$0x18400] =	vst v63  }
0x45: {  	s19 =	sld [smem:$0x7FD]  }
0x46: {  	[tilespmem:s18], [sflag:$0x1] =	stream.indirect.gather [spmem:s2], $0x80, s17, s10, $0xb8;
	[tilespmem:$0x18400] =	vst v63  }
0x47: {  	s20 =	simm.s32 $0xC400  }
0x48: {  	[tilespmem:s20], [sflag:$0x1] =	stream.indirect.gather [spmem:s2], $0x80, s19, s10, $0xb8;
	[tilespmem:$0x18400] =	vst v63  }
0x49: {  	s21 =	simm.s32 $0x380;
	s22 =	simm.s32 $0xE400;
	s15 =	simm.s32 $0x1  }
0x4a: {  	[tilespmem:s22], [sflag:$0x1] =	stream.indirect.gather [spmem:s2], $0x80, s21, s10, $0xb8;
	[tilespmem:$0x18400] =	vst v63  }
0x4b: {  	p3 =	sne.s32 s7, $0x0;
	_ =	swait.ge [sflag:s15], $0x2000  }
0x4c: {  	s0 =	simm.s32 @!p3 $0x400;
	[sflag:s15] =	ssyncset.done $0x0  }
0x4d: {  	s14 =	simm.s32 @!p3 $0x2;
	s16 =	simm.s32 @!p3 $0x0;
	[sflag:s15] =	ssyncadd.s32 $0xFFFFE000  }
0x4e: {  	[hbm4b:s4+s16] =	stream.linear.scatter @!p3 [tilespmem:s0], [sflag:$0x2], $0x2000, $0x38;
	[tilespmem:$0x18400] =	vst v63  }
0x4f: {  	_ =	swait.ge @!p3 [sflag:s14], $0x2000  }
0x50: {  	s1 =	simm.s32 @p1 $0x400;
	s18 =	simm.s32 @p1 $0x0;
	[sflag:s14] =	ssyncset.done @!p3 $0x0  }
0x51: {  	s17 =	simm.s32 @p1 $0x2;
	s0 =	rddreg [dreg:$0x8];
	[sflag:s14] =	ssyncadd.s32 @!p3 $0xFFFFE000  }
0x52: {  	[hbm4b:s0+s18] =	stream.linear.scatter @p1 [tilespmem:s1], [sflag:$0x2], $0x2000, $0x38;
	[tilespmem:$0x18400] =	vst v63  }
0x53: {  	_ =	swait.ge @p1 [sflag:s17], $0x2000  }
0x54: {  	[sflag:s17] =	ssyncset.done @p1 $0x0  }
0x55: {  	[sflag:s17] =	ssyncadd.s32 @p1 $0xFFFFE000  }
0x56: {  	_ =	swait.ge [sflag:s15], $0x2000  }
0x57: {  	[sflag:s15] =	ssyncset.done $0x0  }
0x58: {  	s1 =	simm.s32 @!p3 $0x2400;
	s0 =	rddreg [dreg:$0x9];
	[sflag:s15] =	ssyncadd.s32 $0xFFFFE000  }
0x59: {  	[hbm4b:s0+s16] =	stream.linear.scatter @!p3 [tilespmem:s1], [sflag:$0x2], $0x2000, $0x38;
	[tilespmem:$0x18400] =	vst v63  }
0x5a: {  	_ =	swait.ge @!p3 [sflag:s14], $0x2000  }
0x5b: {  	[sflag:s14] =	ssyncset.done @!p3 $0x0  }
0x5c: {  	s1 =	simm.s32 @p1 $0x2400;
	s0 =	rddreg [dreg:$0xa];
	[sflag:s14] =	ssyncadd.s32 @!p3 $0xFFFFE000  }
0x5d: {  	[hbm4b:s0+s18] =	stream.linear.scatter @p1 [tilespmem:s1], [sflag:$0x2], $0x2000, $0x38;
	[tilespmem:$0x18400] =	vst v63  }
0x5e: {  	_ =	swait.ge @p1 [sflag:s17], $0x2000  }
0x5f: {  	[sflag:s17] =	ssyncset.done @p1 $0x0  }
0x60: {  	[sflag:s17] =	ssyncadd.s32 @p1 $0xFFFFE000  }
0x61: {  	_ =	swait.ge [sflag:s15], $0x2000  }
0x62: {  	[sflag:s15] =	ssyncset.done $0x0  }
0x63: {  	s1 =	simm.s32 @!p3 $0x4400;
	s0 =	rddreg [dreg:$0xb];
	[sflag:s15] =	ssyncadd.s32 $0xFFFFE000  }
0x64: {  	[hbm4b:s0+s16] =	stream.linear.scatter @!p3 [tilespmem:s1], [sflag:$0x2], $0x2000, $0x38;
	[tilespmem:$0x18400] =	vst v63  }
0x65: {  	_ =	swait.ge @!p3 [sflag:s14], $0x2000  }
0x66: {  	[sflag:s14] =	ssyncset.done @!p3 $0x0  }
0x67: {  	s24 =	simm.s32 @p1 $0x4400;
	s0 =	rddreg [dreg:$0xc];
	[sflag:s14] =	ssyncadd.s32 @!p3 $0xFFFFE000  }
0x68: {  	[hbm4b:s0+s18] =	stream.linear.scatter @p1 [tilespmem:s24], [sflag:$0x2], $0x2000, $0x38;
	[tilespmem:$0x18400] =	vst v63  }
0x69: {  	_ =	swait.ge @p1 [sflag:s17], $0x2000  }
0x6a: {  	[sflag:s17] =	ssyncset.done @p1 $0x0  }
0x6b: {  	[sflag:s17] =	ssyncadd.s32 @p1 $0xFFFFE000  }
0x6c: {  	_ =	swait.ge [sflag:s15], $0x2000  }
0x6d: {  	[sflag:s15] =	ssyncset.done $0x0  }
0x6e: {  	s25 =	simm.s32 @!p3 $0x6400;
	s0 =	rddreg [dreg:$0xd];
	[sflag:s15] =	ssyncadd.s32 $0xFFFFE000  }
0x6f: {  	[hbm4b:s0+s16] =	stream.linear.scatter @!p3 [tilespmem:s25], [sflag:$0x2], $0x2000, $0x38;
	[tilespmem:$0x18400] =	vst v63  }
0x70: {  	_ =	swait.ge @!p3 [sflag:s14], $0x2000  }
0x71: {  	[sflag:s14] =	ssyncset.done @!p3 $0x0  }
0x72: {  	s26 =	simm.s32 @p1 $0x6400;
	s0 =	rddreg [dreg:$0xe];
	[sflag:s14] =	ssyncadd.s32 @!p3 $0xFFFFE000  }
0x73: {  	[hbm4b:s0+s18] =	stream.linear.scatter @p1 [tilespmem:s26], [sflag:$0x2], $0x2000, $0x38;
	[tilespmem:$0x18400] =	vst v63  }
0x74: {  	_ =	swait.ge @p1 [sflag:s17], $0x2000  }
0x75: {  	[sflag:s17] =	ssyncset.done @p1 $0x0  }
0x76: {  	[sflag:s17] =	ssyncadd.s32 @p1 $0xFFFFE000  }
0x77: {  	_ =	swait.ge [sflag:s15], $0x2000  }
0x78: {  	[sflag:s15] =	ssyncset.done $0x0  }
0x79: {  	s28 =	simm.s32 @!p3 $0x8400;
	s0 =	rddreg [dreg:$0xf];
	[sflag:s15] =	ssyncadd.s32 $0xFFFFE000  }
0x7a: {  	[hbm4b:s0+s16] =	stream.linear.scatter @!p3 [tilespmem:s28], [sflag:$0x2], $0x2000, $0x38;
	[tilespmem:$0x18400] =	vst v63  }
0x7b: {  	_ =	swait.ge @!p3 [sflag:s14], $0x2000  }
0x7c: {  	[sflag:s14] =	ssyncset.done @!p3 $0x0  }
0x7d: {  	s29 =	simm.s32 @p1 $0x8400;
	s0 =	rddreg [dreg:$0x10];
	[sflag:s14] =	ssyncadd.s32 @!p3 $0xFFFFE000  }
0x7e: {  	[hbm4b:s0+s18] =	stream.linear.scatter @p1 [tilespmem:s29], [sflag:$0x2], $0x2000, $0x38;
	[tilespmem:$0x18400] =	vst v63  }
0x7f: {  	_ =	swait.ge @p1 [sflag:s17], $0x2000  }
0x80: {  	[sflag:s17] =	ssyncset.done @p1 $0x0  }
0x81: {  	[sflag:s17] =	ssyncadd.s32 @p1 $0xFFFFE000  }
0x82: {  	_ =	swait.ge [sflag:s15], $0x2000  }
0x83: {  	[sflag:s15] =	ssyncset.done $0x0  }
0x84: {  	s30 =	simm.s32 @!p3 $0xA400;
	s0 =	rddreg [dreg:$0x11];
	[sflag:s15] =	ssyncadd.s32 $0xFFFFE000  }
0x85: {  	[hbm4b:s0+s16] =	stream.linear.scatter @!p3 [tilespmem:s30], [sflag:$0x2], $0x2000, $0x38;
	[tilespmem:$0x18400] =	vst v63  }
0x86: {  	_ =	swait.ge @!p3 [sflag:s14], $0x2000  }
0x87: {  	[sflag:s14] =	ssyncset.done @!p3 $0x0  }
0x88: {  	s31 =	simm.s32 @p1 $0xA400;
	s0 =	rddreg [dreg:$0x12];
	[sflag:s14] =	ssyncadd.s32 @!p3 $0xFFFFE000  }
0x89: {  	[hbm4b:s0+s18] =	stream.linear.scatter @p1 [tilespmem:s31], [sflag:$0x2], $0x2000, $0x38;
	[tilespmem:$0x18400] =	vst v63  }
0x8a: {  	_ =	swait.ge @p1 [sflag:s17], $0x2000  }
0x8b: {  	[sflag:s17] =	ssyncset.done @p1 $0x0  }
0x8c: {  	s7 =	ssub.s32 $0x2, s7;
	[sflag:s17] =	ssyncadd.s32 @p1 $0xFFFFE000  }
0x8d: {  	s23 =	sshrl.u32 s7, $0x1;
	_ =	swait.ge [sflag:s15], $0x2000  }
0x8e: {  	s7 =	ssub.s32 s7, s23;
	[sflag:s15] =	ssyncset.done $0x0  }
0x8f: {  	s0 =	simm.s32 @!p3 $0xC400;
	s1 =	rddreg [dreg:$0x13];
	[sflag:s15] =	ssyncadd.s32 $0xFFFFE000  }
0x90: {  	[hbm4b:s1+s16] =	stream.linear.scatter @!p3 [tilespmem:s0], [sflag:$0x2], $0x2000, $0x38;
	[tilespmem:$0x18400] =	vst v63  }
0x91: {  	s7 =	smax.u32 s7, $0x1;
	_ =	swait.ge @!p3 [sflag:s14], $0x2000  }
0x92: {  	s7 =	sadd.s32 $0xFFFFFFFF, s7;
	[sflag:s14] =	ssyncset.done @!p3 $0x0  }
0x93: {  	s1 =	simm.s32 @p1 $0xC400;
	s11 =	rddreg [dreg:$0x14];
	[sflag:s14] =	ssyncadd.s32 @!p3 $0xFFFFE000  }
0x94: {  	[hbm4b:s11+s18] =	stream.linear.scatter @p1 [tilespmem:s1], [sflag:$0x2], $0x2000, $0x38;
	[tilespmem:$0x18400] =	vst v63  }
0x95: {  	p4 =	sne.s32 s7, $0x0;
	_ =	swait.ge @p1 [sflag:s17], $0x2000  }
.Ltmp0:
0x96: {  	[sflag:s17] =	ssyncset.done @p1 $0x0;
	(pc) =	sbr.rel @!p4 .LBB2_2-.Ltmp0, $4  }
0x97: {  	[sflag:s17] =	ssyncadd.s32 @p1 $0xFFFFE000  }
0x98: {  	_ =	swait.ge [sflag:s15], $0x2000  }
0x99: {  	[sflag:s15] =	ssyncset.done $0x0  }
0x9a: {  	s11 =	simm.s32 @!p3 $0xE400;
	s12 =	rddreg [dreg:$0x15];
	[sflag:s15] =	ssyncadd.s32 $0xFFFFE000  }
.LBB2_1:
0x9b: {  	[hbm4b:s12+s16] =	stream.linear.scatter @!p3 [tilespmem:s11], [sflag:$0x2], $0x2000, $0x38;
	[tilespmem:$0x18400] =	vst v63  }
0x9c: {  	_ =	swait.ge @!p3 [sflag:s14], $0x2000  }
0x9d: {  	[sflag:s14] =	ssyncset.done @!p3 $0x0  }
0x9e: {  	s13 =	simm.s32 @p1 $0xE400;
	s12 =	rddreg [dreg:$0x16];
	[sflag:s14] =	ssyncadd.s32 @!p3 $0xFFFFE000  }
0x9f: {  	[hbm4b:s12+s18] =	stream.linear.scatter @p1 [tilespmem:s13], [sflag:$0x2], $0x2000, $0x38;
	[tilespmem:$0x18400] =	vst v63  }
0xa0: {  	_ =	swait.ge @p1 [sflag:s17], $0x2000  }
0xa1: {  	s12 =	rddreg [dreg:$0x18]  }
0xa2: {  	[sflag:s17] =	ssyncset.done @p1 $0x0;
	s13 =	rddreg [dreg:$0x5]  }
0xa3: {  	s19 =	rddreg [dreg:$0x17];
	[sflag:s17] =	ssyncadd.s32 @p1 $0xFFFFE000  }
0xa4: {  	[spmem:s12], [sflag:s19] =	dma.local @!p0 [hbm:s13], $0x10000  }
0xa5: {  	_ =	swait.ge @!p0 [sflag:s5], $0x10000  }
0xa6: {  	[sflag:s5] =	ssyncset.done @!p0 $0x0  }
0xa7: {  	s13 =	simm.s32 @p2 $0x1C02;
	s12 =	rddreg [dreg:$0x6];
	[sflag:s5] =	ssyncadd.s32 @!p0 $0xFFFF0000  }
0xa8: {  	[spmem:s6], [sflag:s13] =	dma.local @p2 [hbm:s12], $0x10000  }
0xa9: {  	_ =	swait.ge @p2 [sflag:s8], $0x10000  }
0xaa: {  	[sflag:s8] =	ssyncset.done @p2 $0x0  }
0xab: {  	[sflag:s8] =	ssyncadd.s32 @p2 $0xFFFF0000  }
0xac: {  	[bflag:$0x0] =	sbarrier.arrive $0xFFFF  }
0xad: {  	s23 =	rddreg [dreg:$0x7]  }
0xae: {  	[tilespmem:s3], [sflag:$0x2] =	stream.linear.gather [hbm4b:s23+s3], $0x400, $0x38;
	[tilespmem:$0x18400] =	vst v63  }
0xaf: {  	_ =	swait.ge [sflag:s9], $0x400  }
0xb0: {  	s12 =	rddreg [dreg:$0x1a]  }
0xb1: {  	s13 =	rddreg [dreg:$0x1b]  }
0xb2: {  	s19 =	rddreg [dreg:$0x1d]  }
0xb3: {  	s20 =	sld [smem:$0x7F9]  }
0xb4: {  	s21 =	rddreg [dreg:$0x19]  }
0xb5: {  	[sflag:s9] =	ssyncset.done $0x0;
	s22 =	rddreg [dreg:$0x1f]  }
0xb6: {  	s23 =	rddreg [dreg:$0x1c];
	[sflag:s9] =	ssyncadd.s32 $0xFFFFFC00  }
0xb7: {  	[tilespmem:s21], [sflag:$0x1] =	stream.indirect.gather [spmem:s2], $0x80, s3, s10, $0xb8;
	[tilespmem:$0x18400] =	vst v63  }
0xb8: {  	s21 =	rddreg [dreg:$0x1e]  }
0xb9: {  	[tilespmem:s13], [sflag:$0x1] =	stream.indirect.gather [spmem:s2], $0x80, s12, s10, $0xb8;
	[tilespmem:$0x18400] =	vst v63  }
0xba: {  	s13 =	sld [smem:$0x7FA]  }
0xbb: {  	[tilespmem:s19], [sflag:$0x1] =	stream.indirect.gather [spmem:s2], $0x80, s23, s10, $0xb8;
	[tilespmem:$0x18400] =	vst v63  }
0xbc: {  	s19 =	sld [smem:$0x7FB]  }
0xbd: {  	[tilespmem:s22], [sflag:$0x1] =	stream.indirect.gather [spmem:s2], $0x80, s21, s10, $0xb8;
	[tilespmem:$0x18400] =	vst v63  }
0xbe: {  	s23 =	sld [smem:$0x7FC]  }
0xbf: {  	[tilespmem:s20], [sflag:$0x1] =	stream.indirect.gather [spmem:s2], $0x80, s13, s10, $0xb8;
	[tilespmem:$0x18400] =	vst v63  }
0xc0: {  	s20 =	sld [smem:$0x7FD]  }
0xc1: {  	[tilespmem:s23], [sflag:$0x1] =	stream.indirect.gather [spmem:s2], $0x80, s19, s10, $0xb8;
	[tilespmem:$0x18400] =	vst v63  }
0xc2: {  	s21 =	simm.s32 $0xC400  }
0xc3: {  	[tilespmem:s21], [sflag:$0x1] =	stream.indirect.gather [spmem:s2], $0x80, s20, s10, $0xb8;
	[tilespmem:$0x18400] =	vst v63  }
0xc4: {  	s22 =	simm.s32 $0x380;
	s23 =	simm.s32 $0xE400  }
0xc5: {  	[tilespmem:s23], [sflag:$0x1] =	stream.indirect.gather [spmem:s2], $0x80, s22, s10, $0xb8;
	[tilespmem:$0x18400] =	vst v63  }
0xc6: {  	_ =	swait.ge [sflag:s15], $0x2000  }
0xc7: {  	[sflag:s15] =	ssyncset.done $0x0  }
0xc8: {  	s12 =	simm.s32 @!p3 $0x400;
	[sflag:s15] =	ssyncadd.s32 $0xFFFFE000  }
0xc9: {  	[hbm4b:s4+s16] =	stream.linear.scatter @!p3 [tilespmem:s12], [sflag:$0x2], $0x2000, $0x38;
	[tilespmem:$0x18400] =	vst v63  }
0xca: {  	_ =	swait.ge @!p3 [sflag:s14], $0x2000  }
0xcb: {  	[sflag:s14] =	ssyncset.done @!p3 $0x0  }
0xcc: {  	s13 =	simm.s32 @p1 $0x400;
	s12 =	rddreg [dreg:$0x8];
	[sflag:s14] =	ssyncadd.s32 @!p3 $0xFFFFE000  }
0xcd: {  	[hbm4b:s12+s18] =	stream.linear.scatter @p1 [tilespmem:s13], [sflag:$0x2], $0x2000, $0x38;
	[tilespmem:$0x18400] =	vst v63  }
0xce: {  	_ =	swait.ge @p1 [sflag:s17], $0x2000  }
0xcf: {  	[sflag:s17] =	ssyncset.done @p1 $0x0  }
0xd0: {  	[sflag:s17] =	ssyncadd.s32 @p1 $0xFFFFE000  }
0xd1: {  	_ =	swait.ge [sflag:s15], $0x2000  }
0xd2: {  	[sflag:s15] =	ssyncset.done $0x0  }
0xd3: {  	s13 =	simm.s32 @!p3 $0x2400;
	s12 =	rddreg [dreg:$0x9];
	[sflag:s15] =	ssyncadd.s32 $0xFFFFE000  }
0xd4: {  	[hbm4b:s12+s16] =	stream.linear.scatter @!p3 [tilespmem:s13], [sflag:$0x2], $0x2000, $0x38;
	[tilespmem:$0x18400] =	vst v63  }
0xd5: {  	_ =	swait.ge @!p3 [sflag:s14], $0x2000  }
0xd6: {  	[sflag:s14] =	ssyncset.done @!p3 $0x0  }
0xd7: {  	s13 =	simm.s32 @p1 $0x2400;
	s12 =	rddreg [dreg:$0xa];
	[sflag:s14] =	ssyncadd.s32 @!p3 $0xFFFFE000  }
0xd8: {  	[hbm4b:s12+s18] =	stream.linear.scatter @p1 [tilespmem:s13], [sflag:$0x2], $0x2000, $0x38;
	[tilespmem:$0x18400] =	vst v63  }
0xd9: {  	_ =	swait.ge @p1 [sflag:s17], $0x2000  }
0xda: {  	[sflag:s17] =	ssyncset.done @p1 $0x0  }
0xdb: {  	[sflag:s17] =	ssyncadd.s32 @p1 $0xFFFFE000  }
0xdc: {  	_ =	swait.ge [sflag:s15], $0x2000  }
0xdd: {  	[sflag:s15] =	ssyncset.done $0x0  }
0xde: {  	s13 =	simm.s32 @!p3 $0x4400;
	s12 =	rddreg [dreg:$0xb];
	[sflag:s15] =	ssyncadd.s32 $0xFFFFE000  }
0xdf: {  	[hbm4b:s12+s16] =	stream.linear.scatter @!p3 [tilespmem:s13], [sflag:$0x2], $0x2000, $0x38;
	[tilespmem:$0x18400] =	vst v63  }
0xe0: {  	_ =	swait.ge @!p3 [sflag:s14], $0x2000  }
0xe1: {  	[sflag:s14] =	ssyncset.done @!p3 $0x0  }
0xe2: {  	s12 =	rddreg [dreg:$0xc];
	[sflag:s14] =	ssyncadd.s32 @!p3 $0xFFFFE000  }
0xe3: {  	[hbm4b:s12+s18] =	stream.linear.scatter @p1 [tilespmem:s24], [sflag:$0x2], $0x2000, $0x38;
	[tilespmem:$0x18400] =	vst v63  }
0xe4: {  	_ =	swait.ge @p1 [sflag:s17], $0x2000  }
0xe5: {  	[sflag:s17] =	ssyncset.done @p1 $0x0  }
0xe6: {  	[sflag:s17] =	ssyncadd.s32 @p1 $0xFFFFE000  }
0xe7: {  	_ =	swait.ge [sflag:s15], $0x2000  }
0xe8: {  	[sflag:s15] =	ssyncset.done $0x0  }
0xe9: {  	s12 =	rddreg [dreg:$0xd];
	[sflag:s15] =	ssyncadd.s32 $0xFFFFE000  }
0xea: {  	[hbm4b:s12+s16] =	stream.linear.scatter @!p3 [tilespmem:s25], [sflag:$0x2], $0x2000, $0x38;
	[tilespmem:$0x18400] =	vst v63  }
0xeb: {  	_ =	swait.ge @!p3 [sflag:s14], $0x2000  }
0xec: {  	[sflag:s14] =	ssyncset.done @!p3 $0x0  }
0xed: {  	s12 =	rddreg [dreg:$0xe];
	[sflag:s14] =	ssyncadd.s32 @!p3 $0xFFFFE000  }
0xee: {  	[hbm4b:s12+s18] =	stream.linear.scatter @p1 [tilespmem:s26], [sflag:$0x2], $0x2000, $0x38;
	[tilespmem:$0x18400] =	vst v63  }
0xef: {  	_ =	swait.ge @p1 [sflag:s17], $0x2000  }
0xf0: {  	[sflag:s17] =	ssyncset.done @p1 $0x0  }
0xf1: {  	[sflag:s17] =	ssyncadd.s32 @p1 $0xFFFFE000  }
0xf2: {  	_ =	swait.ge [sflag:s15], $0x2000  }
0xf3: {  	[sflag:s15] =	ssyncset.done $0x0  }
0xf4: {  	s12 =	rddreg [dreg:$0xf];
	[sflag:s15] =	ssyncadd.s32 $0xFFFFE000  }
0xf5: {  	[hbm4b:s12+s16] =	stream.linear.scatter @!p3 [tilespmem:s28], [sflag:$0x2], $0x2000, $0x38;
	[tilespmem:$0x18400] =	vst v63  }
0xf6: {  	_ =	swait.ge @!p3 [sflag:s14], $0x2000  }
0xf7: {  	[sflag:s14] =	ssyncset.done @!p3 $0x0  }
0xf8: {  	s12 =	rddreg [dreg:$0x10];
	[sflag:s14] =	ssyncadd.s32 @!p3 $0xFFFFE000  }
0xf9: {  	[hbm4b:s12+s18] =	stream.linear.scatter @p1 [tilespmem:s29], [sflag:$0x2], $0x2000, $0x38;
	[tilespmem:$0x18400] =	vst v63  }
0xfa: {  	_ =	swait.ge @p1 [sflag:s17], $0x2000  }
0xfb: {  	[sflag:s17] =	ssyncset.done @p1 $0x0  }
0xfc: {  	[sflag:s17] =	ssyncadd.s32 @p1 $0xFFFFE000  }
0xfd: {  	_ =	swait.ge [sflag:s15], $0x2000  }
0xfe: {  	[sflag:s15] =	ssyncset.done $0x0  }
0xff: {  	s12 =	rddreg [dreg:$0x11];
	[sflag:s15] =	ssyncadd.s32 $0xFFFFE000  }
0x100: {  	[hbm4b:s12+s16] =	stream.linear.scatter @!p3 [tilespmem:s30], [sflag:$0x2], $0x2000, $0x38;
	[tilespmem:$0x18400] =	vst v63  }
0x101: {  	_ =	swait.ge @!p3 [sflag:s14], $0x2000  }
0x102: {  	[sflag:s14] =	ssyncset.done @!p3 $0x0  }
0x103: {  	s12 =	rddreg [dreg:$0x12];
	[sflag:s14] =	ssyncadd.s32 @!p3 $0xFFFFE000  }
0x104: {  	[hbm4b:s12+s18] =	stream.linear.scatter @p1 [tilespmem:s31], [sflag:$0x2], $0x2000, $0x38;
	[tilespmem:$0x18400] =	vst v63  }
0x105: {  	_ =	swait.ge @p1 [sflag:s17], $0x2000  }
0x106: {  	[sflag:s17] =	ssyncset.done @p1 $0x0  }
0x107: {  	[sflag:s17] =	ssyncadd.s32 @p1 $0xFFFFE000  }
0x108: {  	_ =	swait.ge [sflag:s15], $0x2000  }
0x109: {  	[sflag:s15] =	ssyncset.done $0x0  }
0x10a: {  	s12 =	rddreg [dreg:$0x13];
	[sflag:s15] =	ssyncadd.s32 $0xFFFFE000  }
0x10b: {  	[hbm4b:s12+s16] =	stream.linear.scatter @!p3 [tilespmem:s0], [sflag:$0x2], $0x2000, $0x38;
	[tilespmem:$0x18400] =	vst v63  }
0x10c: {  	_ =	swait.ge @!p3 [sflag:s14], $0x2000  }
0x10d: {  	[sflag:s14] =	ssyncset.done @!p3 $0x0  }
0x10e: {  	s7 =	sadd.s32 $0xFFFFFFFF, s7;
	s12 =	rddreg [dreg:$0x14];
	[sflag:s14] =	ssyncadd.s32 @!p3 $0xFFFFE000  }
0x10f: {  	[hbm4b:s12+s18] =	stream.linear.scatter @p1 [tilespmem:s1], [sflag:$0x2], $0x2000, $0x38;
	[tilespmem:$0x18400] =	vst v63  }
0x110: {  	p4 =	sne.s32 s7, $0x0;
	_ =	swait.ge @p1 [sflag:s17], $0x2000  }
.Ltmp1:
0x111: {  	[sflag:s17] =	ssyncset.done @p1 $0x0;
	(pc) =	sbr.rel @p4 .LBB2_1-.Ltmp1, $4  }
0x112: {  	[sflag:s17] =	ssyncadd.s32 @p1 $0xFFFFE000  }
0x113: {  	_ =	swait.ge [sflag:s15], $0x2000  }
0x114: {  	[sflag:s15] =	ssyncset.done $0x0  }
0x115: {  	s12 =	rddreg [dreg:$0x15];
	[sflag:s15] =	ssyncadd.s32 $0xFFFFE000  }
.LBB2_2:
0x116: {  	[hbm4b:s12+s16] =	stream.linear.scatter @!p3 [tilespmem:s11], [sflag:$0x2], $0x2000, $0x38;
	[tilespmem:$0x18400] =	vst v63  }
0x117: {  	_ =	swait.ge @!p3 [sflag:s14], $0x2000  }
0x118: {  	[sflag:s14] =	ssyncset.done @!p3 $0x0  }
0x119: {  	s1 =	simm.s32 @p1 $0xE400;
	s0 =	rddreg [dreg:$0x16];
	[sflag:s14] =	ssyncadd.s32 @!p3 $0xFFFFE000  }
0x11a: {  	[hbm4b:s0+s18] =	stream.linear.scatter @p1 [tilespmem:s1], [sflag:$0x2], $0x2000, $0x38;
	[tilespmem:$0x18400] =	vst v63  }
0x11b: {  	_ =	swait.ge @p1 [sflag:s17], $0x2000  }
0x11c: {  	[sflag:s17] =	ssyncset.done @p1 $0x0  }
0x11d: {  	[sflag:s17] =	ssyncadd.s32 @p1 $0xFFFFE000  }
0x11e: {  	_ =	sfence.sel $0x180000  }
0x11f: {  	[bflag:$0x0] =	sbarrier.arrive $0xFFFF  }
0x120: {  	_ =	strace $0x90000047  }
0x121: {  	s31 =	stileid.u32;
	[bflag:$0x2] =	sbarrier.arrive $0xFFFF  }
0x122: {  	p0 =	sne.s32 s31, $0x0;
	s0 =	rddreg [dreg:$0x4]  }
0x123: {  	s0 =	sadd.s32 @!p0 $0x100000, s0  }
0x124: {  	[sflag:s0] =	ssyncadd.tile.s32 @!p0 $0x1;
	_ =	shalt  }
.Lfunc_end2:
_tile_overlayer_lowered:
.L_overlay_start_2:
0x125: {  	(tag) =	ssettag $0x2  }
0x126: {  	s0 =	rddreg [dreg:$0x0];
	s2 =	stileid.u32  }
0x127: {  	s1 =	rddreg [dreg:$0x1];
	p0 =	sne.s32 s2, $0x0  }
0x128: {  	s3 =	rddreg [dreg:$0x2];
	[bflag:$0x3] =	sbarrier.arrive $0xFFFF;
	s2 =	simm.s32 @!p0 $0x1C02  }
0x129: {  	[timem:s3], [sflag:s2] =	dma.local @!p0 [hbm:s0], s1  }
0x12a: {  	s0 =	simm.s32 @!p0 $0x2  }
0x12b: {  	_ =	swait.ge @!p0 [sflag:s0], s1  }
0x12c: {  	s1 =	ssub.s32 @!p0 $0x0, s1;
	[sflag:s0] =	ssyncset.done @!p0 $0x0  }
0x12d: {  	[sflag:s0] =	ssyncadd.s32 @!p0 s1  }
0x12e: {  	[bflag:$0x3] =	sbarrier.arrive $0xFFFF  }
0x12f: {  	_ =	shalt  }

</sc_bundles>
